<compile_context>
chip_gen: v7x
topology: tpu7x:2x2x1
jax: 0.10.2.dev20260603
libtpu: 0.0.44.dev20260713+nightly
codegen_flags: <defaults>
</compile_context>

<pallas_src>
import functools

import jax
import jax.numpy as jnp
from jax import lax
from jax.experimental import pallas as pl
from jax.experimental.pallas import tpu as pltpu
from jax.experimental.pallas import tpu_sc as plsc

N = 10000
E = 320000
NUM_GRAPHS = 128
NC = 2
NS = 16
NW = NC * NS
CHUNK = 128
CPT = 80
E_PAD = NW * CPT * CHUNK
N_PAD = 10240
RPW = N_PAD // NS
NPW = N_PAD // NW

_mesh = plsc.VectorSubcoreMesh(core_axis_name="c", subcore_axis_name="s")
_sc_params = pltpu.CompilerParams(use_tc_tiling_on_sc=False)


def _wid():
    return lax.axis_index("c") * NS + lax.axis_index("s")


@functools.partial(
    pl.kernel,
    out_type=jax.ShapeDtypeStruct((NC, N_PAD), jnp.float32),
    mesh=_mesh,
    compiler_params=_sc_params,
    scratch_types=[
        pltpu.VMEM((CPT, CHUNK), jnp.int32),
        pltpu.VMEM((CHUNK,), jnp.float32),
        pltpu.VMEM_SHARED((N_PAD,), jnp.float32),
    ],
)
def _deg_kernel(dst_hbm, zeros_hbm, out_hbm, dst_v, ones_v, acc_sh):
    cid = lax.axis_index("c")
    sid = lax.axis_index("s")
    wid = cid * NS + sid
    pltpu.sync_copy(zeros_hbm.at[pl.ds(sid * RPW, RPW)],
                    acc_sh.at[pl.ds(sid * RPW, RPW)])
    pltpu.sync_copy(dst_hbm.at[pl.ds(wid * CPT, CPT)], dst_v)
    for i in range(CHUNK // 16):
        ones_v[pl.ds(16 * i, 16)] = jnp.full((16,), 1.0, jnp.float32)
    plsc.subcore_barrier()

    def body(j, carry):
        pltpu.sync_copy(ones_v, acc_sh.at[dst_v.at[j]], add=True)
        return carry

    lax.fori_loop(0, CPT, body, 0)
    plsc.subcore_barrier()
    pltpu.sync_copy(acc_sh.at[pl.ds(sid * RPW, RPW)],
                    out_hbm.at[cid, pl.ds(sid * RPW, RPW)])


def _make_edge_scatter(F):
    @functools.partial(
        pl.kernel,
        out_type=jax.ShapeDtypeStruct((NC, N_PAD, F), jnp.float32),
        mesh=_mesh,
        compiler_params=_sc_params,
        scratch_types=[
            pltpu.VMEM((CPT, CHUNK), jnp.int32),
            pltpu.VMEM((CPT, CHUNK), jnp.int32),
            pltpu.VMEM((CHUNK, F), jnp.float32),
            pltpu.VMEM_SHARED((N_PAD, F), jnp.float32),
            pltpu.SemaphoreType.DMA,
        ],
    )
    def k(g_hbm, src_hbm, dst_hbm, zeros_hbm, out_hbm,
          src_v, dst_v, rows_v, acc_sh, sem):
        cid = lax.axis_index("c")
        sid = lax.axis_index("s")
        wid = cid * NS + sid
        pltpu.sync_copy(zeros_hbm.at[pl.ds(sid * RPW, RPW)],
                        acc_sh.at[pl.ds(sid * RPW, RPW)])
        pltpu.sync_copy(src_hbm.at[pl.ds(wid * CPT, CPT)], src_v)
        pltpu.sync_copy(dst_hbm.at[pl.ds(wid * CPT, CPT)], dst_v)
        plsc.subcore_barrier()

        def body(j, carry):
            pltpu.async_copy(g_hbm.at[src_v.at[j]], rows_v, sem).wait()
            pltpu.sync_copy(rows_v, acc_sh.at[dst_v.at[j]], add=True)
            return carry

        lax.fori_loop(0, CPT, body, 0)
        plsc.subcore_barrier()
        pltpu.sync_copy(acc_sh.at[pl.ds(sid * RPW, RPW)],
                        out_hbm.at[cid, pl.ds(sid * RPW, RPW)])

    return k


_scatter = {F: _make_edge_scatter(F) for F in (32, 48, 64)}


@functools.partial(
    pl.kernel,
    out_type=jax.ShapeDtypeStruct((NW, NUM_GRAPHS, 64), jnp.float32),
    mesh=_mesh,
    compiler_params=_sc_params,
    scratch_types=[
        pltpu.VMEM((NPW + 16,), jnp.int32),
        pltpu.VMEM((NPW, 64), jnp.float32),
        pltpu.VMEM((NUM_GRAPHS, 64), jnp.float32),
    ],
)
def _maxpool_kernel(h_hbm, bidx_hbm, out_hbm, bidx_v, hbuf, macc):
    wid = _wid()
    base = wid * NPW
    pltpu.sync_copy(bidx_hbm.at[pl.ds(base, NPW)], bidx_v.at[pl.ds(0, NPW)])
    pltpu.sync_copy(h_hbm.at[pl.ds(base, NPW)], hbuf)

    def init(i, carry):
        for j in range(4):
            macc[i, pl.ds(16 * j, 16)] = jnp.full((16,), -jnp.inf, jnp.float32)
        return carry

    lax.fori_loop(0, NUM_GRAPHS, init, 0)

    def body(i, carry):
        b = bidx_v[pl.ds(i, 16)][0]
        for j in range(4):
            sl = pl.ds(16 * j, 16)
            macc[b, sl] = jnp.maximum(macc[b, sl], hbuf[i, sl])
        return carry

    lax.fori_loop(0, NPW, body, 0)
    pltpu.sync_copy(macc, out_hbm.at[wid])


def _tc1_body(x_ref, w_ref, degp_ref, g_ref, dinv_ref):
    dp = degp_ref[...]
    deg = 1.0 + dp[0, :N] + dp[1, :N]
    dinv = lax.rsqrt(deg)[:, None]
    dinv_ref[...] = dinv
    g_ref[...] = dinv * jnp.dot(x_ref[...], w_ref[...],
                                preferred_element_type=jnp.float32)


def _tc1(x, W1, degp):
    return pl.pallas_call(
        _tc1_body,
        out_shape=(jax.ShapeDtypeStruct((N, W1.shape[1]), jnp.float32),
                   jax.ShapeDtypeStruct((N, 1), jnp.float32)),
    )(x, W1, degp)


def _tc_mid_body(sp_ref, g_ref, dinv_ref, b_ref, w_ref, gn_ref):
    sp = sp_ref[...]
    s = sp[0, :N] + sp[1, :N]
    h = jnp.maximum(dinv_ref[...] * (s + g_ref[...]) + b_ref[...], 0.0)
    gn_ref[...] = dinv_ref[...] * jnp.dot(h, w_ref[...],
                                          preferred_element_type=jnp.float32)


def _tc_mid(sp, g, dinv, b, Wn):
    return pl.pallas_call(
        _tc_mid_body,
        out_shape=jax.ShapeDtypeStruct((N, Wn.shape[1]), jnp.float32),
    )(sp, g, dinv, b.reshape(1, -1), Wn)


def _tc_last_body(sp_ref, g_ref, dinv_ref, b_ref, h_ref):
    sp = sp_ref[...]
    s = sp[0, :N] + sp[1, :N]
    h_ref[...] = jnp.maximum(dinv_ref[...] * (s + g_ref[...]) + b_ref[...], 0.0)


def _tc_last(sp, g, dinv, b):
    return pl.pallas_call(
        _tc_last_body,
        out_shape=jax.ShapeDtypeStruct((N, g.shape[1]), jnp.float32),
    )(sp, g, dinv, b.reshape(1, -1))


def _tc_final_body(maxp_ref, h_ref, bidx_ref, wout_ref, bout_ref, out_ref):
    gmp = jnp.max(maxp_ref[...], axis=0)
    oh = (bidx_ref[...] ==
          lax.broadcasted_iota(jnp.int32, (1, NUM_GRAPHS), 1)
          ).astype(jnp.float32)
    s = lax.dot_general(oh, h_ref[...], (((0,), (0,)), ((), ())),
                        preferred_element_type=jnp.float32)
    cnt = jnp.sum(oh, axis=0)[:, None]
    gap = s / jnp.maximum(cnt, 1.0)
    hidden = jnp.concatenate([gmp, gap], axis=1)
    out_ref[...] = jnp.dot(hidden, wout_ref[...],
                           preferred_element_type=jnp.float32) + bout_ref[...]


def _tc_final(maxp, h3, bidx, Wout, bout):
    return pl.pallas_call(
        _tc_final_body,
        out_shape=jax.ShapeDtypeStruct((NUM_GRAPHS, Wout.shape[1]), jnp.float32),
    )(maxp, h3, bidx.reshape(-1, 1), Wout, bout.reshape(1, -1))


def kernel(x, edge_index, batch_index, W1, b1, W2, b2, W3, b3, Wout, bout):
    src, dst = edge_index[0], edge_index[1]
    pad = E_PAD - E
    src_p = jnp.concatenate([src, (jnp.arange(pad, dtype=jnp.int32) * 97) % N])
    dst_p = jnp.concatenate(
        [dst, N + (jnp.arange(pad, dtype=jnp.int32) % (N_PAD - N))])
    src2d = src_p.reshape(NW * CPT, CHUNK)
    dst2d = dst_p.reshape(NW * CPT, CHUNK)

    zeros1 = jnp.zeros((N_PAD,), jnp.float32)
    degp = _deg_kernel(dst2d, zeros1)

    g1, dinv = _tc1(x, W1, degp)
    s1 = _scatter[32](g1, src2d, dst2d, jnp.zeros((N_PAD, 32), jnp.float32))
    g2 = _tc_mid(s1, g1, dinv, b1, W2)
    s2 = _scatter[48](g2, src2d, dst2d, jnp.zeros((N_PAD, 48), jnp.float32))
    g3 = _tc_mid(s2, g2, dinv, b2, W3)
    s3 = _scatter[64](g3, src2d, dst2d, jnp.zeros((N_PAD, 64), jnp.float32))
    h3 = _tc_last(s3, g3, dinv, b3)

    h3p = jnp.concatenate(
        [h3, jnp.full((N_PAD - N, 64), -jnp.inf, jnp.float32)], axis=0)
    bidxp = jnp.concatenate(
        [batch_index, jnp.full((N_PAD - N,), NUM_GRAPHS - 1, jnp.int32)])
    maxp = _maxpool_kernel(h3p, bidxp)

    return _tc_final(maxp, h3, batch_index, Wout, bout)

# --- scband reference (transcript-rebuilt; emitter-appended) ---
"""Pipeline reference for scband-gcn-37675453120656 (READ-ONLY COPY).

The authoritative reference and input builder live on the scoring server;
editing this copy changes nothing except your own understanding.
"""

import jax, jax.numpy as jnp
import numpy as np

N = 10000
E = 320000
F_IN = 128
NUM_GRAPHS = 128


def setup_inputs(seed: int = 0):
    key = jax.random.key(seed)
    ks = jax.random.split(key, 12)
    x = jax.random.normal(ks[0], (N, F_IN), dtype=jnp.float32)
    edge_index = jax.random.randint(ks[1], (2, E), 0, N, dtype=jnp.int32)
    batch_index = jnp.sort(jax.random.randint(ks[2], (N,), 0, NUM_GRAPHS, dtype=jnp.int32))
    W1 = jax.random.normal(ks[3], (F_IN, 32), dtype=jnp.float32) * (1.0 / np.sqrt(F_IN))
    b1 = jnp.zeros((32,), dtype=jnp.float32)
    W2 = jax.random.normal(ks[4], (32, 48), dtype=jnp.float32) * (1.0 / np.sqrt(32))
    b2 = jnp.zeros((48,), dtype=jnp.float32)
    W3 = jax.random.normal(ks[5], (48, 64), dtype=jnp.float32) * (1.0 / np.sqrt(48))
    b3 = jnp.zeros((64,), dtype=jnp.float32)
    Wout = jax.random.normal(ks[6], (128, 32), dtype=jnp.float32) * (1.0 / np.sqrt(128))
    bout = jnp.zeros((32,), dtype=jnp.float32)
    return {"x": x, "edge_index": edge_index, "batch_index": batch_index,
            "W1": W1, "b1": b1, "W2": W2, "b2": b2, "W3": W3, "b3": b3,
            "Wout": Wout, "bout": bout}


def reference(x, edge_index, batch_index, W1, b1, W2, b2, W3, b3, Wout, bout):
    n = x.shape[0]
    loop = jnp.arange(n, dtype=edge_index.dtype)
    src = jnp.concatenate([edge_index[0], loop])
    dst = jnp.concatenate([edge_index[1], loop])
    deg = jnp.zeros((n,), dtype=x.dtype).at[dst].add(1.0)
    dinv = jnp.where(deg > 0, 1.0 / jnp.sqrt(deg), 0.0)
    norm = dinv[src] * dinv[dst]

    def gcn_conv(h, W, b):
        h = h @ W
        msg = h[src] * norm[:, None]
        out = jnp.zeros((n, W.shape[1]), dtype=h.dtype).at[dst].add(msg)
        return out + b

    h = jax.nn.relu(gcn_conv(x, W1, b1))
    h = jax.nn.relu(h)  # faithful to original double-relu
    h = gcn_conv(h, W2, b2)
    h = jax.nn.relu(h)
    h = gcn_conv(h, W3, b3)
    h = jax.nn.relu(h)
    gmp = jax.ops.segment_max(h, batch_index, num_segments=NUM_GRAPHS)
    s = jax.ops.segment_sum(h, batch_index, num_segments=NUM_GRAPHS)
    cnt = jax.ops.segment_sum(jnp.ones((n, 1), dtype=h.dtype), batch_index, num_segments=NUM_GRAPHS)
    gap = s / jnp.maximum(cnt, 1.0)
    hidden = jnp.concatenate([gmp, gap], axis=1)
    out = hidden @ Wout + bout
    return out

if __name__ == "__main__":
    import jax
    _d = setup_inputs()
    print(jax.jit(kernel)(*tuple(_d.values())))

</pallas_src>

<mosaic_0001>
#map = affine_map<(d0, d1) -> (0, 0)>
#map1 = affine_map<(d0, d1) -> (0, 0, 0)>
module attributes {stable_mosaic.version = 14 : i64} {
  func.func @k(%arg0: i32, %arg1: i32, %arg2: memref<10000x64xf32, #tpu.memory_space<hbm>>, %arg3: memref<2560x128xi32, #tpu.memory_space<hbm>>, %arg4: memref<2560x128xi32, #tpu.memory_space<hbm>>, %arg5: memref<10240x64xf32, #tpu.memory_space<hbm>>, %arg6: memref<2x10240x64xf32, #tpu.memory_space<hbm>>, %arg7: memref<80x128xi32, #tpu.memory_space<vmem>>, %arg8: memref<80x128xi32, #tpu.memory_space<vmem>>, %arg9: memref<128x64xf32, #tpu.memory_space<vmem>>, %arg10: memref<10240x64xf32, #tpu.memory_space<vmem_shared>>, %arg11: memref<!tpu.dma_semaphore, #tpu.memory_space<semaphore_mem>>) attributes {dimension_semantics = [#tpu.dimension_semantics<core_parallel>, #tpu.dimension_semantics<subcore_parallel>], iteration_bounds = array<i64: 2, 16>, scalar_prefetch = 0 : i64, scratch_operands = 5 : i64, tpu.core_type = #tpu.core_type<sc_vector_subcore>, window_params = [{transform_indices = #map}, {transform_indices = #map}, {transform_indices = #map}, {transform_indices = #map}, {transform_indices = #map1}]} {
    %mul3A = arith.constant 16 : i32
    %mul3A_0 = arith.muli %arg0, %mul3A : i32
    %add3A = arith.addi %mul3A_0, %arg1 : i32
    %mul3A_1 = arith.constant 640 : i32
    %mul3A_2 = arith.muli %arg1, %mul3A_1 : i32
    %mul3A_3 = arith.constant 640 : i32
    %mul3A_4 = arith.muli %arg1, %mul3A_3 : i32
    "tpu.region"() ({
      %run_scoped3A = tpu.sem_alloc : memref<!tpu.dma_semaphore, #tpu.memory_space<semaphore_mem>>
      %dma_start3A = arith.constant 0 : i32
      %dma_start3A_19 = tpu.memref_slice %arg10[%mul3A_4, %dma_start3A] : memref<10240x64xf32, #tpu.memory_space<vmem_shared>> -> memref<640x64xf32, #tpu.memory_space<vmem_shared>>
      %dma_start3A_20 = arith.constant 0 : i32
      %dma_start3A_21 = tpu.memref_slice %arg5[%mul3A_2, %dma_start3A_20] : memref<10240x64xf32, #tpu.memory_space<hbm>> -> memref<640x64xf32, #tpu.memory_space<hbm>>
      tpu.enqueue_dma source(%dma_start3A_21 : memref<640x64xf32, #tpu.memory_space<hbm>>) target(%dma_start3A_19 : memref<640x64xf32, #tpu.memory_space<vmem_shared>>) target_semaphore(%run_scoped3A : memref<!tpu.dma_semaphore, #tpu.memory_space<semaphore_mem>>)
      %dma_wait3A = arith.constant 0 : i32
      %dma_wait3A_22 = tpu.memref_slice %arg10[%mul3A_4, %dma_wait3A] : memref<10240x64xf32, #tpu.memory_space<vmem_shared>> -> memref<640x64xf32, #tpu.memory_space<vmem_shared>>
      %dma_wait3A_23 = arith.constant 0 : i32
      %dma_wait3A_24 = tpu.memref_slice %arg5[%mul3A_2, %dma_wait3A_23] : memref<10240x64xf32, #tpu.memory_space<hbm>> -> memref<640x64xf32, #tpu.memory_space<hbm>>
      tpu.wait_dma2 semaphore(%run_scoped3A : memref<!tpu.dma_semaphore, #tpu.memory_space<semaphore_mem>>) src(%dma_wait3A_24 : memref<640x64xf32, #tpu.memory_space<hbm>>) dst(%dma_wait3A_22 : memref<640x64xf32, #tpu.memory_space<vmem_shared>>)
      tpu.yield
    }) : () -> ()
    %mul3A_5 = arith.constant 80 : i32
    %mul3A_6 = arith.muli %add3A, %mul3A_5 : i32
    "tpu.region"() ({
      %run_scoped3A = tpu.sem_alloc : memref<!tpu.dma_semaphore, #tpu.memory_space<semaphore_mem>>
      %dma_start3A = arith.constant 0 : i32
      %dma_start3A_19 = tpu.memref_slice %arg3[%mul3A_6, %dma_start3A] : memref<2560x128xi32, #tpu.memory_space<hbm>> -> memref<80x128xi32, #tpu.memory_space<hbm>>
      %dma_start3A_20 = arith.constant 0 : i32
      %dma_start3A_21 = tpu.memref_slice %arg3[%mul3A_6, %dma_start3A_20] : memref<2560x128xi32, #tpu.memory_space<hbm>> -> memref<80x128xi32, #tpu.memory_space<hbm>>
      tpu.enqueue_dma source(%dma_start3A_21 : memref<80x128xi32, #tpu.memory_space<hbm>>) target(%arg7 : memref<80x128xi32, #tpu.memory_space<vmem>>) target_semaphore(%run_scoped3A : memref<!tpu.dma_semaphore, #tpu.memory_space<semaphore_mem>>)
      %dma_wait3A = arith.constant 0 : i32
      %dma_wait3A_22 = tpu.memref_slice %arg3[%mul3A_6, %dma_wait3A] : memref<2560x128xi32, #tpu.memory_space<hbm>> -> memref<80x128xi32, #tpu.memory_space<hbm>>
      %dma_wait3A_23 = arith.constant 0 : i32
      %dma_wait3A_24 = tpu.memref_slice %arg3[%mul3A_6, %dma_wait3A_23] : memref<2560x128xi32, #tpu.memory_space<hbm>> -> memref<80x128xi32, #tpu.memory_space<hbm>>
      tpu.wait_dma2 semaphore(%run_scoped3A : memref<!tpu.dma_semaphore, #tpu.memory_space<semaphore_mem>>) src(%dma_wait3A_24 : memref<80x128xi32, #tpu.memory_space<hbm>>) dst(%arg7 : memref<80x128xi32, #tpu.memory_space<vmem>>)
      tpu.yield
    }) : () -> ()
    %mul3A_7 = arith.constant 80 : i32
    %mul3A_8 = arith.muli %add3A, %mul3A_7 : i32
    "tpu.region"() ({
      %run_scoped3A = tpu.sem_alloc : memref<!tpu.dma_semaphore, #tpu.memory_space<semaphore_mem>>
      %dma_start3A = arith.constant 0 : i32
      %dma_start3A_19 = tpu.memref_slice %arg4[%mul3A_8, %dma_start3A] : memref<2560x128xi32, #tpu.memory_space<hbm>> -> memref<80x128xi32, #tpu.memory_space<hbm>>
      %dma_start3A_20 = arith.constant 0 : i32
      %dma_start3A_21 = tpu.memref_slice %arg4[%mul3A_8, %dma_start3A_20] : memref<2560x128xi32, #tpu.memory_space<hbm>> -> memref<80x128xi32, #tpu.memory_space<hbm>>
      tpu.enqueue_dma source(%dma_start3A_21 : memref<80x128xi32, #tpu.memory_space<hbm>>) target(%arg8 : memref<80x128xi32, #tpu.memory_space<vmem>>) target_semaphore(%run_scoped3A : memref<!tpu.dma_semaphore, #tpu.memory_space<semaphore_mem>>)
      %dma_wait3A = arith.constant 0 : i32
      %dma_wait3A_22 = tpu.memref_slice %arg4[%mul3A_8, %dma_wait3A] : memref<2560x128xi32, #tpu.memory_space<hbm>> -> memref<80x128xi32, #tpu.memory_space<hbm>>
      %dma_wait3A_23 = arith.constant 0 : i32
      %dma_wait3A_24 = tpu.memref_slice %arg4[%mul3A_8, %dma_wait3A_23] : memref<2560x128xi32, #tpu.memory_space<hbm>> -> memref<80x128xi32, #tpu.memory_space<hbm>>
      tpu.wait_dma2 semaphore(%run_scoped3A : memref<!tpu.dma_semaphore, #tpu.memory_space<semaphore_mem>>) src(%dma_wait3A_24 : memref<80x128xi32, #tpu.memory_space<hbm>>) dst(%arg8 : memref<80x128xi32, #tpu.memory_space<vmem>>)
      tpu.yield
    }) : () -> ()
    %barrier3A = arith.constant 0 : index
    tpu.barrier barrier_id(%barrier3A)
    %scan3A = arith.constant 0 : i32
    %scan3A_9 = arith.constant 0 : i32
    %scan3A_10 = arith.constant 80 : i32
    %scan3A_11 = arith.addi %scan3A_9, %scan3A_10 : i32
    %scan3A_12 = arith.constant 1 : i32
    scf.for %scan3A_19 = %scan3A_9 to %scan3A_11 step %scan3A_12  : i32 {
      %dma_start3A = arith.constant 0 : i32
      %dma_start3A_20 = tpu.memref_slice %arg7[%scan3A_19, %dma_start3A] : memref<80x128xi32, #tpu.memory_space<vmem>> -> memref<1x128xi32, #tpu.memory_space<vmem>>
      %dma_start3A_21 = tpu.memref_squeeze %dma_start3A_20 : memref<1x128xi32, #tpu.memory_space<vmem>> -> memref<128xi32, #tpu.memory_space<vmem>>
      %dma_start3A_22 = arith.constant 0 : i32
      %dma_start3A_23 = arith.constant 0 : i32
      %dma_start3A_24 = tpu.memref_slice %arg2[%dma_start3A_22, %dma_start3A_23] : memref<10000x64xf32, #tpu.memory_space<hbm>> -> memref<10000x64xf32, #tpu.memory_space<hbm>>
      tpu.enqueue_indirect_dma source(%dma_start3A_24 : memref<10000x64xf32, #tpu.memory_space<hbm>>) target(%arg9 : memref<128x64xf32, #tpu.memory_space<vmem>>) offsets(%dma_start3A_21 : memref<128xi32, #tpu.memory_space<vmem>>) semaphore(%arg11 : memref<!tpu.dma_semaphore, #tpu.memory_space<semaphore_mem>>)
      %dma_wait3A = arith.constant 0 : i32
      %dma_wait3A_25 = tpu.memref_slice %arg7[%scan3A_19, %dma_wait3A] : memref<80x128xi32, #tpu.memory_space<vmem>> -> memref<1x128xi32, #tpu.memory_space<vmem>>
      %dma_wait3A_26 = tpu.memref_squeeze %dma_wait3A_25 : memref<1x128xi32, #tpu.memory_space<vmem>> -> memref<128xi32, #tpu.memory_space<vmem>>
      %dma_wait3A_27 = arith.constant 0 : i32
      %dma_wait3A_28 = arith.constant 0 : i32
      %dma_wait3A_29 = tpu.memref_slice %arg2[%dma_wait3A_27, %dma_wait3A_28] : memref<10000x64xf32, #tpu.memory_space<hbm>> -> memref<10000x64xf32, #tpu.memory_space<hbm>>
      tpu.wait_indirect_dma semaphore(%arg11 : memref<!tpu.dma_semaphore, #tpu.memory_space<semaphore_mem>>) src(%dma_wait3A_29 : memref<10000x64xf32, #tpu.memory_space<hbm>>) dst(%arg9 : memref<128x64xf32, #tpu.memory_space<vmem>>)
      "tpu.region"() ({
        %run_scoped3A = tpu.sem_alloc : memref<!tpu.dma_semaphore, #tpu.memory_space<semaphore_mem>>
        %dma_start3A_30 = arith.constant 0 : i32
        %dma_start3A_31 = tpu.memref_slice %arg8[%scan3A_19, %dma_start3A_30] : memref<80x128xi32, #tpu.memory_space<vmem>> -> memref<1x128xi32, #tpu.memory_space<vmem>>
        %dma_start3A_32 = tpu.memref_squeeze %dma_start3A_31 : memref<1x128xi32, #tpu.memory_space<vmem>> -> memref<128xi32, #tpu.memory_space<vmem>>
        %dma_start3A_33 = arith.constant 0 : i32
        %dma_start3A_34 = arith.constant 0 : i32
        %dma_start3A_35 = tpu.memref_slice %arg10[%dma_start3A_33, %dma_start3A_34] : memref<10240x64xf32, #tpu.memory_space<vmem_shared>> -> memref<10240x64xf32, #tpu.memory_space<vmem_shared>>
        tpu.enqueue_indirect_dma source(%arg9 : memref<128x64xf32, #tpu.memory_space<vmem>>) target(%dma_start3A_35 : memref<10240x64xf32, #tpu.memory_space<vmem_shared>>) offsets(%dma_start3A_32 : memref<128xi32, #tpu.memory_space<vmem>>) semaphore(%run_scoped3A : memref<!tpu.dma_semaphore, #tpu.memory_space<semaphore_mem>>) {add = true}
        %dma_wait3A_36 = arith.constant 0 : i32
        %dma_wait3A_37 = tpu.memref_slice %arg8[%scan3A_19, %dma_wait3A_36] : memref<80x128xi32, #tpu.memory_space<vmem>> -> memref<1x128xi32, #tpu.memory_space<vmem>>
        %dma_wait3A_38 = tpu.memref_squeeze %dma_wait3A_37 : memref<1x128xi32, #tpu.memory_space<vmem>> -> memref<128xi32, #tpu.memory_space<vmem>>
        %dma_wait3A_39 = arith.constant 0 : i32
        %dma_wait3A_40 = arith.constant 0 : i32
        %dma_wait3A_41 = tpu.memref_slice %arg10[%dma_wait3A_39, %dma_wait3A_40] : memref<10240x64xf32, #tpu.memory_space<vmem_shared>> -> memref<10240x64xf32, #tpu.memory_space<vmem_shared>>
        tpu.wait_indirect_dma semaphore(%run_scoped3A : memref<!tpu.dma_semaphore, #tpu.memory_space<semaphore_mem>>) src(%arg9 : memref<128x64xf32, #tpu.memory_space<vmem>>) dst(%dma_wait3A_41 : memref<10240x64xf32, #tpu.memory_space<vmem_shared>>)
        tpu.yield
      }) : () -> ()
    }
    %scan3A_13 = arith.constant 80 : i32
    %barrier3A_14 = arith.constant 0 : index
    tpu.barrier barrier_id(%barrier3A_14)
    %mul3A_15 = arith.constant 640 : i32
    %mul3A_16 = arith.muli %arg1, %mul3A_15 : i32
    %mul3A_17 = arith.constant 640 : i32
    %mul3A_18 = arith.muli %arg1, %mul3A_17 : i32
    "tpu.region"() ({
      %run_scoped3A = tpu.sem_alloc : memref<!tpu.dma_semaphore, #tpu.memory_space<semaphore_mem>>
      %dma_start3A = arith.constant 0 : i32
      %dma_start3A_19 = tpu.memref_slice %arg6[%arg0, %mul3A_18, %dma_start3A] : memref<2x10240x64xf32, #tpu.memory_space<hbm>> -> memref<1x640x64xf32, #tpu.memory_space<hbm>>
      %dma_start3A_20 = tpu.memref_squeeze %dma_start3A_19 : memref<1x640x64xf32, #tpu.memory_space<hbm>> -> memref<640x64xf32, #tpu.memory_space<hbm>>
      %dma_start3A_21 = arith.constant 0 : i32
      %dma_start3A_22 = tpu.memref_slice %arg10[%mul3A_16, %dma_start3A_21] : memref<10240x64xf32, #tpu.memory_space<vmem_shared>> -> memref<640x64xf32, #tpu.memory_space<vmem_shared>>
      tpu.enqueue_dma source(%dma_start3A_22 : memref<640x64xf32, #tpu.memory_space<vmem_shared>>) target(%dma_start3A_20 : memref<640x64xf32, #tpu.memory_space<hbm>>) target_semaphore(%run_scoped3A : memref<!tpu.dma_semaphore, #tpu.memory_space<semaphore_mem>>)
      %dma_wait3A = arith.constant 0 : i32
      %dma_wait3A_23 = tpu.memref_slice %arg6[%arg0, %mul3A_18, %dma_wait3A] : memref<2x10240x64xf32, #tpu.memory_space<hbm>> -> memref<1x640x64xf32, #tpu.memory_space<hbm>>
      %dma_wait3A_24 = tpu.memref_squeeze %dma_wait3A_23 : memref<1x640x64xf32, #tpu.memory_space<hbm>> -> memref<640x64xf32, #tpu.memory_space<hbm>>
      %dma_wait3A_25 = arith.constant 0 : i32
      %dma_wait3A_26 = tpu.memref_slice %arg10[%mul3A_16, %dma_wait3A_25] : memref<10240x64xf32, #tpu.memory_space<vmem_shared>> -> memref<640x64xf32, #tpu.memory_space<vmem_shared>>
      tpu.wait_dma2 semaphore(%run_scoped3A : memref<!tpu.dma_semaphore, #tpu.memory_space<semaphore_mem>>) src(%dma_wait3A_26 : memref<640x64xf32, #tpu.memory_space<vmem_shared>>) dst(%dma_wait3A_24 : memref<640x64xf32, #tpu.memory_space<hbm>>)
      tpu.yield
    }) : () -> ()
    return
  }
}

#map = affine_map<(d0, d1) -> (0, 0)>
#map1 = affine_map<(d0, d1) -> (0)>
module attributes {stable_mosaic.version = 14 : i64} {
  func.func @_deg_kernel(%arg0: i32, %arg1: i32, %arg2: memref<2560x128xi32, #tpu.memory_space<hbm>>, %arg3: memref<10240xf32, #tpu.memory_space<hbm>>, %arg4: memref<2x10240xf32, #tpu.memory_space<hbm>>, %arg5: memref<80x128xi32, #tpu.memory_space<vmem>>, %arg6: memref<128xf32, #tpu.memory_space<vmem>>, %arg7: memref<10240xf32, #tpu.memory_space<vmem_shared>>) attributes {dimension_semantics = [#tpu.dimension_semantics<core_parallel>, #tpu.dimension_semantics<subcore_parallel>], iteration_bounds = array<i64: 2, 16>, scalar_prefetch = 0 : i64, scratch_operands = 3 : i64, tpu.core_type = #tpu.core_type<sc_vector_subcore>, window_params = [{transform_indices = #map}, {transform_indices = #map1}, {transform_indices = #map}]} {
    %mul3A = arith.constant 16 : i32
    %mul3A_0 = arith.muli %arg0, %mul3A : i32
    %add3A = arith.addi %mul3A_0, %arg1 : i32
    %mul3A_1 = arith.constant 640 : i32
    %mul3A_2 = arith.muli %arg1, %mul3A_1 : i32
    %mul3A_3 = arith.constant 640 : i32
    %mul3A_4 = arith.muli %arg1, %mul3A_3 : i32
    "tpu.region"() ({
      %run_scoped3A = tpu.sem_alloc : memref<!tpu.dma_semaphore, #tpu.memory_space<semaphore_mem>>
      %dma_start3A = tpu.memref_slice %arg7[%mul3A_4] : memref<10240xf32, #tpu.memory_space<vmem_shared>> -> memref<640xf32, #tpu.memory_space<vmem_shared>>
      %dma_start3A_63 = tpu.memref_slice %arg3[%mul3A_2] : memref<10240xf32, #tpu.memory_space<hbm>> -> memref<640xf32, #tpu.memory_space<hbm>>
      tpu.enqueue_dma source(%dma_start3A_63 : memref<640xf32, #tpu.memory_space<hbm>>) target(%dma_start3A : memref<640xf32, #tpu.memory_space<vmem_shared>>) target_semaphore(%run_scoped3A : memref<!tpu.dma_semaphore, #tpu.memory_space<semaphore_mem>>)
      %dma_wait3A = tpu.memref_slice %arg7[%mul3A_4] : memref<10240xf32, #tpu.memory_space<vmem_shared>> -> memref<640xf32, #tpu.memory_space<vmem_shared>>
      %dma_wait3A_64 = tpu.memref_slice %arg3[%mul3A_2] : memref<10240xf32, #tpu.memory_space<hbm>> -> memref<640xf32, #tpu.memory_space<hbm>>
      tpu.wait_dma2 semaphore(%run_scoped3A : memref<!tpu.dma_semaphore, #tpu.memory_space<semaphore_mem>>) src(%dma_wait3A_64 : memref<640xf32, #tpu.memory_space<hbm>>) dst(%dma_wait3A : memref<640xf32, #tpu.memory_space<vmem_shared>>)
      tpu.yield
    }) : () -> ()
    %mul3A_5 = arith.constant 80 : i32
    %mul3A_6 = arith.muli %add3A, %mul3A_5 : i32
    "tpu.region"() ({
      %run_scoped3A = tpu.sem_alloc : memref<!tpu.dma_semaphore, #tpu.memory_space<semaphore_mem>>
      %dma_start3A = arith.constant 0 : i32
      %dma_start3A_63 = tpu.memref_slice %arg2[%mul3A_6, %dma_start3A] : memref<2560x128xi32, #tpu.memory_space<hbm>> -> memref<80x128xi32, #tpu.memory_space<hbm>>
      %dma_start3A_64 = arith.constant 0 : i32
      %dma_start3A_65 = tpu.memref_slice %arg2[%mul3A_6, %dma_start3A_64] : memref<2560x128xi32, #tpu.memory_space<hbm>> -> memref<80x128xi32, #tpu.memory_space<hbm>>
      tpu.enqueue_dma source(%dma_start3A_65 : memref<80x128xi32, #tpu.memory_space<hbm>>) target(%arg5 : memref<80x128xi32, #tpu.memory_space<vmem>>) target_semaphore(%run_scoped3A : memref<!tpu.dma_semaphore, #tpu.memory_space<semaphore_mem>>)
      %dma_wait3A = arith.constant 0 : i32
      %dma_wait3A_66 = tpu.memref_slice %arg2[%mul3A_6, %dma_wait3A] : memref<2560x128xi32, #tpu.memory_space<hbm>> -> memref<80x128xi32, #tpu.memory_space<hbm>>
      %dma_wait3A_67 = arith.constant 0 : i32
      %dma_wait3A_68 = tpu.memref_slice %arg2[%mul3A_6, %dma_wait3A_67] : memref<2560x128xi32, #tpu.memory_space<hbm>> -> memref<80x128xi32, #tpu.memory_space<hbm>>
      tpu.wait_dma2 semaphore(%run_scoped3A : memref<!tpu.dma_semaphore, #tpu.memory_space<semaphore_mem>>) src(%dma_wait3A_68 : memref<80x128xi32, #tpu.memory_space<hbm>>) dst(%arg5 : memref<80x128xi32, #tpu.memory_space<vmem>>)
      tpu.yield
    }) : () -> ()
    %broadcast_in_dim3A = arith.constant 1.000000e+00 : f32
    %broadcast_in_dim3A_7 = vector.broadcast %broadcast_in_dim3A : f32 to vector<16xf32>
    %swap3A = arith.constant 0 : index
    %swap3A_8 = tpu.vector_load %arg6[%swap3A] {strides = array<i32>} : memref<128xf32, #tpu.memory_space<vmem>>, vector<16xf32>,
    %swap3A_9 = vector.shape_cast %swap3A_8 : vector<16xf32> to vector<16xf32>
    %swap3A_10 = vector.shape_cast %broadcast_in_dim3A_7 : vector<16xf32> to vector<16xf32>
    tpu.vector_store %arg6[%swap3A], %swap3A_10 {strides = array<i32>} : memref<128xf32, #tpu.memory_space<vmem>>, vector<16xf32>,
    %broadcast_in_dim3A_11 = arith.constant 1.000000e+00 : f32
    %broadcast_in_dim3A_12 = vector.broadcast %broadcast_in_dim3A_11 : f32 to vector<16xf32>
    %swap3A_13 = arith.constant 16 : index
    %swap3A_14 = tpu.vector_load %arg6[%swap3A_13] {strides = array<i32>} : memref<128xf32, #tpu.memory_space<vmem>>, vector<16xf32>,
    %swap3A_15 = vector.shape_cast %swap3A_14 : vector<16xf32> to vector<16xf32>
    %swap3A_16 = vector.shape_cast %broadcast_in_dim3A_12 : vector<16xf32> to vector<16xf32>
    tpu.vector_store %arg6[%swap3A_13], %swap3A_16 {strides = array<i32>} : memref<128xf32, #tpu.memory_space<vmem>>, vector<16xf32>,
    %broadcast_in_dim3A_17 = arith.constant 1.000000e+00 : f32
    %broadcast_in_dim3A_18 = vector.broadcast %broadcast_in_dim3A_17 : f32 to vector<16xf32>
    %swap3A_19 = arith.constant 32 : index
    %swap3A_20 = tpu.vector_load %arg6[%swap3A_19] {strides = array<i32>} : memref<128xf32, #tpu.memory_space<vmem>>, vector<16xf32>,
    %swap3A_21 = vector.shape_cast %swap3A_20 : vector<16xf32> to vector<16xf32>
    %swap3A_22 = vector.shape_cast %broadcast_in_dim3A_18 : vector<16xf32> to vector<16xf32>
    tpu.vector_store %arg6[%swap3A_19], %swap3A_22 {strides = array<i32>} : memref<128xf32, #tpu.memory_space<vmem>>, vector<16xf32>,
    %broadcast_in_dim3A_23 = arith.constant 1.000000e+00 : f32
    %broadcast_in_dim3A_24 = vector.broadcast %broadcast_in_dim3A_23 : f32 to vector<16xf32>
    %swap3A_25 = arith.constant 48 : index
    %swap3A_26 = tpu.vector_load %arg6[%swap3A_25] {strides = array<i32>} : memref<128xf32, #tpu.memory_space<vmem>>, vector<16xf32>,
    %swap3A_27 = vector.shape_cast %swap3A_26 : vector<16xf32> to vector<16xf32>
    %swap3A_28 = vector.shape_cast %broadcast_in_dim3A_24 : vector<16xf32> to vector<16xf32>
    tpu.vector_store %arg6[%swap3A_25], %swap3A_28 {strides = array<i32>} : memref<128xf32, #tpu.memory_space<vmem>>, vector<16xf32>,
    %broadcast_in_dim3A_29 = arith.constant 1.000000e+00 : f32
    %broadcast_in_dim3A_30 = vector.broadcast %broadcast_in_dim3A_29 : f32 to vector<16xf32>
    %swap3A_31 = arith.constant 64 : index
    %swap3A_32 = tpu.vector_load %arg6[%swap3A_31] {strides = array<i32>} : memref<128xf32, #tpu.memory_space<vmem>>, vector<16xf32>,
    %swap3A_33 = vector.shape_cast %swap3A_32 : vector<16xf32> to vector<16xf32>
    %swap3A_34 = vector.shape_cast %broadcast_in_dim3A_30 : vector<16xf32> to vector<16xf32>
    tpu.vector_store %arg6[%swap3A_31], %swap3A_34 {strides = array<i32>} : memref<128xf32, #tpu.memory_space<vmem>>, vector<16xf32>,
    %broadcast_in_dim3A_35 = arith.constant 1.000000e+00 : f32
    %broadcast_in_dim3A_36 = vector.broadcast %broadcast_in_dim3A_35 : f32 to vector<16xf32>
    %swap3A_37 = arith.constant 80 : index
    %swap3A_38 = tpu.vector_load %arg6[%swap3A_37] {strides = array<i32>} : memref<128xf32, #tpu.memory_space<vmem>>, vector<16xf32>,
    %swap3A_39 = vector.shape_cast %swap3A_38 : vector<16xf32> to vector<16xf32>
    %swap3A_40 = vector.shape_cast %broadcast_in_dim3A_36 : vector<16xf32> to vector<16xf32>
    tpu.vector_store %arg6[%swap3A_37], %swap3A_40 {strides = array<i32>} : memref<128xf32, #tpu.memory_space<vmem>>, vector<16xf32>,
    %broadcast_in_dim3A_41 = arith.constant 1.000000e+00 : f32
    %broadcast_in_dim3A_42 = vector.broadcast %broadcast_in_dim3A_41 : f32 to vector<16xf32>
    %swap3A_43 = arith.constant 96 : index
    %swap3A_44 = tpu.vector_load %arg6[%swap3A_43] {strides = array<i32>} : memref<128xf32, #tpu.memory_space<vmem>>, vector<16xf32>,
    %swap3A_45 = vector.shape_cast %swap3A_44 : vector<16xf32> to vector<16xf32>
    %swap3A_46 = vector.shape_cast %broadcast_in_dim3A_42 : vector<16xf32> to vector<16xf32>
    tpu.vector_store %arg6[%swap3A_43], %swap3A_46 {strides = array<i32>} : memref<128xf32, #tpu.memory_space<vmem>>, vector<16xf32>,
    %broadcast_in_dim3A_47 = arith.constant 1.000000e+00 : f32
    %broadcast_in_dim3A_48 = vector.broadcast %broadcast_in_dim3A_47 : f32 to vector<16xf32>
    %swap3A_49 = arith.constant 112 : index
    %swap3A_50 = tpu.vector_load %arg6[%swap3A_49] {strides = array<i32>} : memref<128xf32, #tpu.memory_space<vmem>>, vector<16xf32>,
    %swap3A_51 = vector.shape_cast %swap3A_50 : vector<16xf32> to vector<16xf32>
    %swap3A_52 = vector.shape_cast %broadcast_in_dim3A_48 : vector<16xf32> to vector<16xf32>
    tpu.vector_store %arg6[%swap3A_49], %swap3A_52 {strides = array<i32>} : memref<128xf32, #tpu.memory_space<vmem>>, vector<16xf32>,
    %barrier3A = arith.constant 0 : index
    tpu.barrier barrier_id(%barrier3A)
    %scan3A = arith.constant 0 : i32
    %scan3A_53 = arith.constant 0 : i32
    %scan3A_54 = arith.constant 80 : i32
    %scan3A_55 = arith.addi %scan3A_53, %scan3A_54 : i32
    %scan3A_56 = arith.constant 1 : i32
    scf.for %scan3A_63 = %scan3A_53 to %scan3A_55 step %scan3A_56  : i32 {
      "tpu.region"() ({
        %run_scoped3A = tpu.sem_alloc : memref<!tpu.dma_semaphore, #tpu.memory_space<semaphore_mem>>
        %dma_start3A = arith.constant 0 : i32
        %dma_start3A_64 = tpu.memref_slice %arg5[%scan3A_63, %dma_start3A] : memref<80x128xi32, #tpu.memory_space<vmem>> -> memref<1x128xi32, #tpu.memory_space<vmem>>
        %dma_start3A_65 = tpu.memref_squeeze %dma_start3A_64 : memref<1x128xi32, #tpu.memory_space<vmem>> -> memref<128xi32, #tpu.memory_space<vmem>>
        %dma_start3A_66 = arith.constant 0 : i32
        %dma_start3A_67 = tpu.memref_slice %arg7[%dma_start3A_66] : memref<10240xf32, #tpu.memory_space<vmem_shared>> -> memref<10240xf32, #tpu.memory_space<vmem_shared>>
        tpu.enqueue_indirect_dma source(%arg6 : memref<128xf32, #tpu.memory_space<vmem>>) target(%dma_start3A_67 : memref<10240xf32, #tpu.memory_space<vmem_shared>>) offsets(%dma_start3A_65 : memref<128xi32, #tpu.memory_space<vmem>>) semaphore(%run_scoped3A : memref<!tpu.dma_semaphore, #tpu.memory_space<semaphore_mem>>) {add = true}
        %dma_wait3A = arith.constant 0 : i32
        %dma_wait3A_68 = tpu.memref_slice %arg5[%scan3A_63, %dma_wait3A] : memref<80x128xi32, #tpu.memory_space<vmem>> -> memref<1x128xi32, #tpu.memory_space<vmem>>
        %dma_wait3A_69 = tpu.memref_squeeze %dma_wait3A_68 : memref<1x128xi32, #tpu.memory_space<vmem>> -> memref<128xi32, #tpu.memory_space<vmem>>
        %dma_wait3A_70 = arith.constant 0 : i32
        %dma_wait3A_71 = tpu.memref_slice %arg7[%dma_wait3A_70] : memref<10240xf32, #tpu.memory_space<vmem_shared>> -> memref<10240xf32, #tpu.memory_space<vmem_shared>>
        tpu.wait_indirect_dma semaphore(%run_scoped3A : memref<!tpu.dma_semaphore, #tpu.memory_space<semaphore_mem>>) src(%arg6 : memref<128xf32, #tpu.memory_space<vmem>>) dst(%dma_wait3A_71 : memref<10240xf32, #tpu.memory_space<vmem_shared>>)
        tpu.yield
      }) : () -> ()
    }
    %scan3A_57 = arith.constant 80 : i32
    %barrier3A_58 = arith.constant 0 : index
    tpu.barrier barrier_id(%barrier3A_58)
    %mul3A_59 = arith.constant 640 : i32
    %mul3A_60 = arith.muli %arg1, %mul3A_59 : i32
    %mul3A_61 = arith.constant 640 : i32
    %mul3A_62 = arith.muli %arg1, %mul3A_61 : i32
    "tpu.region"() ({
      %run_scoped3A = tpu.sem_alloc : memref<!tpu.dma_semaphore, #tpu.memory_space<semaphore_mem>>
      %dma_start3A = tpu.memref_slice %arg4[%arg0, %mul3A_62] : memref<2x10240xf32, #tpu.memory_space<hbm>> -> memref<1x640xf32, #tpu.memory_space<hbm>>
      %dma_start3A_63 = tpu.memref_squeeze %dma_start3A : memref<1x640xf32, #tpu.memory_space<hbm>> -> memref<640xf32, #tpu.memory_space<hbm>>
      %dma_start3A_64 = tpu.memref_slice %arg7[%mul3A_60] : memref<10240xf32, #tpu.memory_space<vmem_shared>> -> memref<640xf32, #tpu.memory_space<vmem_shared>>
      tpu.enqueue_dma source(%dma_start3A_64 : memref<640xf32, #tpu.memory_space<vmem_shared>>) target(%dma_start3A_63 : memref<640xf32, #tpu.memory_space<hbm>>) target_semaphore(%run_scoped3A : memref<!tpu.dma_semaphore, #tpu.memory_space<semaphore_mem>>)
      %dma_wait3A = tpu.memref_slice %arg4[%arg0, %mul3A_62] : memref<2x10240xf32, #tpu.memory_space<hbm>> -> memref<1x640xf32, #tpu.memory_space<hbm>>
      %dma_wait3A_65 = tpu.memref_squeeze %dma_wait3A : memref<1x640xf32, #tpu.memory_space<hbm>> -> memref<640xf32, #tpu.memory_space<hbm>>
      %dma_wait3A_66 = tpu.memref_slice %arg7[%mul3A_60] : memref<10240xf32, #tpu.memory_space<vmem_shared>> -> memref<640xf32, #tpu.memory_space<vmem_shared>>
      tpu.wait_dma2 semaphore(%run_scoped3A : memref<!tpu.dma_semaphore, #tpu.memory_space<semaphore_mem>>) src(%dma_wait3A_66 : memref<640xf32, #tpu.memory_space<vmem_shared>>) dst(%dma_wait3A_65 : memref<640xf32, #tpu.memory_space<hbm>>)
      tpu.yield
    }) : () -> ()
    return
  }
}

#map = affine_map<(d0, d1) -> (0, 0)>
#map1 = affine_map<(d0, d1) -> (0, 0, 0)>
module attributes {stable_mosaic.version = 14 : i64} {
  func.func @k(%arg0: i32, %arg1: i32, %arg2: memref<10000x32xf32, #tpu.memory_space<hbm>>, %arg3: memref<2560x128xi32, #tpu.memory_space<hbm>>, %arg4: memref<2560x128xi32, #tpu.memory_space<hbm>>, %arg5: memref<10240x32xf32, #tpu.memory_space<hbm>>, %arg6: memref<2x10240x32xf32, #tpu.memory_space<hbm>>, %arg7: memref<80x128xi32, #tpu.memory_space<vmem>>, %arg8: memref<80x128xi32, #tpu.memory_space<vmem>>, %arg9: memref<128x32xf32, #tpu.memory_space<vmem>>, %arg10: memref<10240x32xf32, #tpu.memory_space<vmem_shared>>, %arg11: memref<!tpu.dma_semaphore, #tpu.memory_space<semaphore_mem>>) attributes {dimension_semantics = [#tpu.dimension_semantics<core_parallel>, #tpu.dimension_semantics<subcore_parallel>], iteration_bounds = array<i64: 2, 16>, scalar_prefetch = 0 : i64, scratch_operands = 5 : i64, tpu.core_type = #tpu.core_type<sc_vector_subcore>, window_params = [{transform_indices = #map}, {transform_indices = #map}, {transform_indices = #map}, {transform_indices = #map}, {transform_indices = #map1}]} {
    %mul3A = arith.constant 16 : i32
    %mul3A_0 = arith.muli %arg0, %mul3A : i32
    %add3A = arith.addi %mul3A_0, %arg1 : i32
    %mul3A_1 = arith.constant 640 : i32
    %mul3A_2 = arith.muli %arg1, %mul3A_1 : i32
    %mul3A_3 = arith.constant 640 : i32
    %mul3A_4 = arith.muli %arg1, %mul3A_3 : i32
    "tpu.region"() ({
      %run_scoped3A = tpu.sem_alloc : memref<!tpu.dma_semaphore, #tpu.memory_space<semaphore_mem>>
      %dma_start3A = arith.constant 0 : i32
      %dma_start3A_19 = tpu.memref_slice %arg10[%mul3A_4, %dma_start3A] : memref<10240x32xf32, #tpu.memory_space<vmem_shared>> -> memref<640x32xf32, #tpu.memory_space<vmem_shared>>
      %dma_start3A_20 = arith.constant 0 : i32
      %dma_start3A_21 = tpu.memref_slice %arg5[%mul3A_2, %dma_start3A_20] : memref<10240x32xf32, #tpu.memory_space<hbm>> -> memref<640x32xf32, #tpu.memory_space<hbm>>
      tpu.enqueue_dma source(%dma_start3A_21 : memref<640x32xf32, #tpu.memory_space<hbm>>) target(%dma_start3A_19 : memref<640x32xf32, #tpu.memory_space<vmem_shared>>) target_semaphore(%run_scoped3A : memref<!tpu.dma_semaphore, #tpu.memory_space<semaphore_mem>>)
      %dma_wait3A = arith.constant 0 : i32
      %dma_wait3A_22 = tpu.memref_slice %arg10[%mul3A_4, %dma_wait3A] : memref<10240x32xf32, #tpu.memory_space<vmem_shared>> -> memref<640x32xf32, #tpu.memory_space<vmem_shared>>
      %dma_wait3A_23 = arith.constant 0 : i32
      %dma_wait3A_24 = tpu.memref_slice %arg5[%mul3A_2, %dma_wait3A_23] : memref<10240x32xf32, #tpu.memory_space<hbm>> -> memref<640x32xf32, #tpu.memory_space<hbm>>
      tpu.wait_dma2 semaphore(%run_scoped3A : memref<!tpu.dma_semaphore, #tpu.memory_space<semaphore_mem>>) src(%dma_wait3A_24 : memref<640x32xf32, #tpu.memory_space<hbm>>) dst(%dma_wait3A_22 : memref<640x32xf32, #tpu.memory_space<vmem_shared>>)
      tpu.yield
    }) : () -> ()
    %mul3A_5 = arith.constant 80 : i32
    %mul3A_6 = arith.muli %add3A, %mul3A_5 : i32
    "tpu.region"() ({
      %run_scoped3A = tpu.sem_alloc : memref<!tpu.dma_semaphore, #tpu.memory_space<semaphore_mem>>
      %dma_start3A = arith.constant 0 : i32
      %dma_start3A_19 = tpu.memref_slice %arg3[%mul3A_6, %dma_start3A] : memref<2560x128xi32, #tpu.memory_space<hbm>> -> memref<80x128xi32, #tpu.memory_space<hbm>>
      %dma_start3A_20 = arith.constant 0 : i32
      %dma_start3A_21 = tpu.memref_slice %arg3[%mul3A_6, %dma_start3A_20] : memref<2560x128xi32, #tpu.memory_space<hbm>> -> memref<80x128xi32, #tpu.memory_space<hbm>>
      tpu.enqueue_dma source(%dma_start3A_21 : memref<80x128xi32, #tpu.memory_space<hbm>>) target(%arg7 : memref<80x128xi32, #tpu.memory_space<vmem>>) target_semaphore(%run_scoped3A : memref<!tpu.dma_semaphore, #tpu.memory_space<semaphore_mem>>)
      %dma_wait3A = arith.constant 0 : i32
      %dma_wait3A_22 = tpu.memref_slice %arg3[%mul3A_6, %dma_wait3A] : memref<2560x128xi32, #tpu.memory_space<hbm>> -> memref<80x128xi32, #tpu.memory_space<hbm>>
      %dma_wait3A_23 = arith.constant 0 : i32
      %dma_wait3A_24 = tpu.memref_slice %arg3[%mul3A_6, %dma_wait3A_23] : memref<2560x128xi32, #tpu.memory_space<hbm>> -> memref<80x128xi32, #tpu.memory_space<hbm>>
      tpu.wait_dma2 semaphore(%run_scoped3A : memref<!tpu.dma_semaphore, #tpu.memory_space<semaphore_mem>>) src(%dma_wait3A_24 : memref<80x128xi32, #tpu.memory_space<hbm>>) dst(%arg7 : memref<80x128xi32, #tpu.memory_space<vmem>>)
      tpu.yield
    }) : () -> ()
    %mul3A_7 = arith.constant 80 : i32
    %mul3A_8 = arith.muli %add3A, %mul3A_7 : i32
    "tpu.region"() ({
      %run_scoped3A = tpu.sem_alloc : memref<!tpu.dma_semaphore, #tpu.memory_space<semaphore_mem>>
      %dma_start3A = arith.constant 0 : i32
      %dma_start3A_19 = tpu.memref_slice %arg4[%mul3A_8, %dma_start3A] : memref<2560x128xi32, #tpu.memory_space<hbm>> -> memref<80x128xi32, #tpu.memory_space<hbm>>
      %dma_start3A_20 = arith.constant 0 : i32
      %dma_start3A_21 = tpu.memref_slice %arg4[%mul3A_8, %dma_start3A_20] : memref<2560x128xi32, #tpu.memory_space<hbm>> -> memref<80x128xi32, #tpu.memory_space<hbm>>
      tpu.enqueue_dma source(%dma_start3A_21 : memref<80x128xi32, #tpu.memory_space<hbm>>) target(%arg8 : memref<80x128xi32, #tpu.memory_space<vmem>>) target_semaphore(%run_scoped3A : memref<!tpu.dma_semaphore, #tpu.memory_space<semaphore_mem>>)
      %dma_wait3A = arith.constant 0 : i32
      %dma_wait3A_22 = tpu.memref_slice %arg4[%mul3A_8, %dma_wait3A] : memref<2560x128xi32, #tpu.memory_space<hbm>> -> memref<80x128xi32, #tpu.memory_space<hbm>>
      %dma_wait3A_23 = arith.constant 0 : i32
      %dma_wait3A_24 = tpu.memref_slice %arg4[%mul3A_8, %dma_wait3A_23] : memref<2560x128xi32, #tpu.memory_space<hbm>> -> memref<80x128xi32, #tpu.memory_space<hbm>>
      tpu.wait_dma2 semaphore(%run_scoped3A : memref<!tpu.dma_semaphore, #tpu.memory_space<semaphore_mem>>) src(%dma_wait3A_24 : memref<80x128xi32, #tpu.memory_space<hbm>>) dst(%arg8 : memref<80x128xi32, #tpu.memory_space<vmem>>)
      tpu.yield
    }) : () -> ()
    %barrier3A = arith.constant 0 : index
    tpu.barrier barrier_id(%barrier3A)
    %scan3A = arith.constant 0 : i32
    %scan3A_9 = arith.constant 0 : i32
    %scan3A_10 = arith.constant 80 : i32
    %scan3A_11 = arith.addi %scan3A_9, %scan3A_10 : i32
    %scan3A_12 = arith.constant 1 : i32
    scf.for %scan3A_19 = %scan3A_9 to %scan3A_11 step %scan3A_12  : i32 {
      %dma_start3A = arith.constant 0 : i32
      %dma_start3A_20 = tpu.memref_slice %arg7[%scan3A_19, %dma_start3A] : memref<80x128xi32, #tpu.memory_space<vmem>> -> memref<1x128xi32, #tpu.memory_space<vmem>>
      %dma_start3A_21 = tpu.memref_squeeze %dma_start3A_20 : memref<1x128xi32, #tpu.memory_space<vmem>> -> memref<128xi32, #tpu.memory_space<vmem>>
      %dma_start3A_22 = arith.constant 0 : i32
      %dma_start3A_23 = arith.constant 0 : i32
      %dma_start3A_24 = tpu.memref_slice %arg2[%dma_start3A_22, %dma_start3A_23] : memref<10000x32xf32, #tpu.memory_space<hbm>> -> memref<10000x32xf32, #tpu.memory_space<hbm>>
      tpu.enqueue_indirect_dma source(%dma_start3A_24 : memref<10000x32xf32, #tpu.memory_space<hbm>>) target(%arg9 : memref<128x32xf32, #tpu.memory_space<vmem>>) offsets(%dma_start3A_21 : memref<128xi32, #tpu.memory_space<vmem>>) semaphore(%arg11 : memref<!tpu.dma_semaphore, #tpu.memory_space<semaphore_mem>>)
      %dma_wait3A = arith.constant 0 : i32
      %dma_wait3A_25 = tpu.memref_slice %arg7[%scan3A_19, %dma_wait3A] : memref<80x128xi32, #tpu.memory_space<vmem>> -> memref<1x128xi32, #tpu.memory_space<vmem>>
      %dma_wait3A_26 = tpu.memref_squeeze %dma_wait3A_25 : memref<1x128xi32, #tpu.memory_space<vmem>> -> memref<128xi32, #tpu.memory_space<vmem>>
      %dma_wait3A_27 = arith.constant 0 : i32
      %dma_wait3A_28 = arith.constant 0 : i32
      %dma_wait3A_29 = tpu.memref_slice %arg2[%dma_wait3A_27, %dma_wait3A_28] : memref<10000x32xf32, #tpu.memory_space<hbm>> -> memref<10000x32xf32, #tpu.memory_space<hbm>>
      tpu.wait_indirect_dma semaphore(%arg11 : memref<!tpu.dma_semaphore, #tpu.memory_space<semaphore_mem>>) src(%dma_wait3A_29 : memref<10000x32xf32, #tpu.memory_space<hbm>>) dst(%arg9 : memref<128x32xf32, #tpu.memory_space<vmem>>)
      "tpu.region"() ({
        %run_scoped3A = tpu.sem_alloc : memref<!tpu.dma_semaphore, #tpu.memory_space<semaphore_mem>>
        %dma_start3A_30 = arith.constant 0 : i32
        %dma_start3A_31 = tpu.memref_slice %arg8[%scan3A_19, %dma_start3A_30] : memref<80x128xi32, #tpu.memory_space<vmem>> -> memref<1x128xi32, #tpu.memory_space<vmem>>
        %dma_start3A_32 = tpu.memref_squeeze %dma_start3A_31 : memref<1x128xi32, #tpu.memory_space<vmem>> -> memref<128xi32, #tpu.memory_space<vmem>>
        %dma_start3A_33 = arith.constant 0 : i32
        %dma_start3A_34 = arith.constant 0 : i32
        %dma_start3A_35 = tpu.memref_slice %arg10[%dma_start3A_33, %dma_start3A_34] : memref<10240x32xf32, #tpu.memory_space<vmem_shared>> -> memref<10240x32xf32, #tpu.memory_space<vmem_shared>>
        tpu.enqueue_indirect_dma source(%arg9 : memref<128x32xf32, #tpu.memory_space<vmem>>) target(%dma_start3A_35 : memref<10240x32xf32, #tpu.memory_space<vmem_shared>>) offsets(%dma_start3A_32 : memref<128xi32, #tpu.memory_space<vmem>>) semaphore(%run_scoped3A : memref<!tpu.dma_semaphore, #tpu.memory_space<semaphore_mem>>) {add = true}
        %dma_wait3A_36 = arith.constant 0 : i32
        %dma_wait3A_37 = tpu.memref_slice %arg8[%scan3A_19, %dma_wait3A_36] : memref<80x128xi32, #tpu.memory_space<vmem>> -> memref<1x128xi32, #tpu.memory_space<vmem>>
        %dma_wait3A_38 = tpu.memref_squeeze %dma_wait3A_37 : memref<1x128xi32, #tpu.memory_space<vmem>> -> memref<128xi32, #tpu.memory_space<vmem>>
        %dma_wait3A_39 = arith.constant 0 : i32
        %dma_wait3A_40 = arith.constant 0 : i32
        %dma_wait3A_41 = tpu.memref_slice %arg10[%dma_wait3A_39, %dma_wait3A_40] : memref<10240x32xf32, #tpu.memory_space<vmem_shared>> -> memref<10240x32xf32, #tpu.memory_space<vmem_shared>>
        tpu.wait_indirect_dma semaphore(%run_scoped3A : memref<!tpu.dma_semaphore, #tpu.memory_space<semaphore_mem>>) src(%arg9 : memref<128x32xf32, #tpu.memory_space<vmem>>) dst(%dma_wait3A_41 : memref<10240x32xf32, #tpu.memory_space<vmem_shared>>)
        tpu.yield
      }) : () -> ()
    }
    %scan3A_13 = arith.constant 80 : i32
    %barrier3A_14 = arith.constant 0 : index
    tpu.barrier barrier_id(%barrier3A_14)
    %mul3A_15 = arith.constant 640 : i32
    %mul3A_16 = arith.muli %arg1, %mul3A_15 : i32
    %mul3A_17 = arith.constant 640 : i32
    %mul3A_18 = arith.muli %arg1, %mul3A_17 : i32
    "tpu.region"() ({
      %run_scoped3A = tpu.sem_alloc : memref<!tpu.dma_semaphore, #tpu.memory_space<semaphore_mem>>
      %dma_start3A = arith.constant 0 : i32
      %dma_start3A_19 = tpu.memref_slice %arg6[%arg0, %mul3A_18, %dma_start3A] : memref<2x10240x32xf32, #tpu.memory_space<hbm>> -> memref<1x640x32xf32, #tpu.memory_space<hbm>>
      %dma_start3A_20 = tpu.memref_squeeze %dma_start3A_19 : memref<1x640x32xf32, #tpu.memory_space<hbm>> -> memref<640x32xf32, #tpu.memory_space<hbm>>
      %dma_start3A_21 = arith.constant 0 : i32
      %dma_start3A_22 = tpu.memref_slice %arg10[%mul3A_16, %dma_start3A_21] : memref<10240x32xf32, #tpu.memory_space<vmem_shared>> -> memref<640x32xf32, #tpu.memory_space<vmem_shared>>
      tpu.enqueue_dma source(%dma_start3A_22 : memref<640x32xf32, #tpu.memory_space<vmem_shared>>) target(%dma_start3A_20 : memref<640x32xf32, #tpu.memory_space<hbm>>) target_semaphore(%run_scoped3A : memref<!tpu.dma_semaphore, #tpu.memory_space<semaphore_mem>>)
      %dma_wait3A = arith.constant 0 : i32
      %dma_wait3A_23 = tpu.memref_slice %arg6[%arg0, %mul3A_18, %dma_wait3A] : memref<2x10240x32xf32, #tpu.memory_space<hbm>> -> memref<1x640x32xf32, #tpu.memory_space<hbm>>
      %dma_wait3A_24 = tpu.memref_squeeze %dma_wait3A_23 : memref<1x640x32xf32, #tpu.memory_space<hbm>> -> memref<640x32xf32, #tpu.memory_space<hbm>>
      %dma_wait3A_25 = arith.constant 0 : i32
      %dma_wait3A_26 = tpu.memref_slice %arg10[%mul3A_16, %dma_wait3A_25] : memref<10240x32xf32, #tpu.memory_space<vmem_shared>> -> memref<640x32xf32, #tpu.memory_space<vmem_shared>>
      tpu.wait_dma2 semaphore(%run_scoped3A : memref<!tpu.dma_semaphore, #tpu.memory_space<semaphore_mem>>) src(%dma_wait3A_26 : memref<640x32xf32, #tpu.memory_space<vmem_shared>>) dst(%dma_wait3A_24 : memref<640x32xf32, #tpu.memory_space<hbm>>)
      tpu.yield
    }) : () -> ()
    return
  }
}

#map = affine_map<(d0, d1) -> (0, 0)>
#map1 = affine_map<(d0, d1) -> (0, 0, 0)>
module attributes {stable_mosaic.version = 14 : i64} {
  func.func @k(%arg0: i32, %arg1: i32, %arg2: memref<10000x48xf32, #tpu.memory_space<hbm>>, %arg3: memref<2560x128xi32, #tpu.memory_space<hbm>>, %arg4: memref<2560x128xi32, #tpu.memory_space<hbm>>, %arg5: memref<10240x48xf32, #tpu.memory_space<hbm>>, %arg6: memref<2x10240x48xf32, #tpu.memory_space<hbm>>, %arg7: memref<80x128xi32, #tpu.memory_space<vmem>>, %arg8: memref<80x128xi32, #tpu.memory_space<vmem>>, %arg9: memref<128x48xf32, #tpu.memory_space<vmem>>, %arg10: memref<10240x48xf32, #tpu.memory_space<vmem_shared>>, %arg11: memref<!tpu.dma_semaphore, #tpu.memory_space<semaphore_mem>>) attributes {dimension_semantics = [#tpu.dimension_semantics<core_parallel>, #tpu.dimension_semantics<subcore_parallel>], iteration_bounds = array<i64: 2, 16>, scalar_prefetch = 0 : i64, scratch_operands = 5 : i64, tpu.core_type = #tpu.core_type<sc_vector_subcore>, window_params = [{transform_indices = #map}, {transform_indices = #map}, {transform_indices = #map}, {transform_indices = #map}, {transform_indices = #map1}]} {
    %mul3A = arith.constant 16 : i32
    %mul3A_0 = arith.muli %arg0, %mul3A : i32
    %add3A = arith.addi %mul3A_0, %arg1 : i32
    %mul3A_1 = arith.constant 640 : i32
    %mul3A_2 = arith.muli %arg1, %mul3A_1 : i32
    %mul3A_3 = arith.constant 640 : i32
    %mul3A_4 = arith.muli %arg1, %mul3A_3 : i32
    "tpu.region"() ({
      %run_scoped3A = tpu.sem_alloc : memref<!tpu.dma_semaphore, #tpu.memory_space<semaphore_mem>>
      %dma_start3A = arith.constant 0 : i32
      %dma_start3A_19 = tpu.memref_slice %arg10[%mul3A_4, %dma_start3A] : memref<10240x48xf32, #tpu.memory_space<vmem_shared>> -> memref<640x48xf32, #tpu.memory_space<vmem_shared>>
      %dma_start3A_20 = arith.constant 0 : i32
      %dma_start3A_21 = tpu.memref_slice %arg5[%mul3A_2, %dma_start3A_20] : memref<10240x48xf32, #tpu.memory_space<hbm>> -> memref<640x48xf32, #tpu.memory_space<hbm>>
      tpu.enqueue_dma source(%dma_start3A_21 : memref<640x48xf32, #tpu.memory_space<hbm>>) target(%dma_start3A_19 : memref<640x48xf32, #tpu.memory_space<vmem_shared>>) target_semaphore(%run_scoped3A : memref<!tpu.dma_semaphore, #tpu.memory_space<semaphore_mem>>)
      %dma_wait3A = arith.constant 0 : i32
      %dma_wait3A_22 = tpu.memref_slice %arg10[%mul3A_4, %dma_wait3A] : memref<10240x48xf32, #tpu.memory_space<vmem_shared>> -> memref<640x48xf32, #tpu.memory_space<vmem_shared>>
      %dma_wait3A_23 = arith.constant 0 : i32
      %dma_wait3A_24 = tpu.memref_slice %arg5[%mul3A_2, %dma_wait3A_23] : memref<10240x48xf32, #tpu.memory_space<hbm>> -> memref<640x48xf32, #tpu.memory_space<hbm>>
      tpu.wait_dma2 semaphore(%run_scoped3A : memref<!tpu.dma_semaphore, #tpu.memory_space<semaphore_mem>>) src(%dma_wait3A_24 : memref<640x48xf32, #tpu.memory_space<hbm>>) dst(%dma_wait3A_22 : memref<640x48xf32, #tpu.memory_space<vmem_shared>>)
      tpu.yield
    }) : () -> ()
    %mul3A_5 = arith.constant 80 : i32
    %mul3A_6 = arith.muli %add3A, %mul3A_5 : i32
    "tpu.region"() ({
      %run_scoped3A = tpu.sem_alloc : memref<!tpu.dma_semaphore, #tpu.memory_space<semaphore_mem>>
      %dma_start3A = arith.constant 0 : i32
      %dma_start3A_19 = tpu.memref_slice %arg3[%mul3A_6, %dma_start3A] : memref<2560x128xi32, #tpu.memory_space<hbm>> -> memref<80x128xi32, #tpu.memory_space<hbm>>
      %dma_start3A_20 = arith.constant 0 : i32
      %dma_start3A_21 = tpu.memref_slice %arg3[%mul3A_6, %dma_start3A_20] : memref<2560x128xi32, #tpu.memory_space<hbm>> -> memref<80x128xi32, #tpu.memory_space<hbm>>
      tpu.enqueue_dma source(%dma_start3A_21 : memref<80x128xi32, #tpu.memory_space<hbm>>) target(%arg7 : memref<80x128xi32, #tpu.memory_space<vmem>>) target_semaphore(%run_scoped3A : memref<!tpu.dma_semaphore, #tpu.memory_space<semaphore_mem>>)
      %dma_wait3A = arith.constant 0 : i32
      %dma_wait3A_22 = tpu.memref_slice %arg3[%mul3A_6, %dma_wait3A] : memref<2560x128xi32, #tpu.memory_space<hbm>> -> memref<80x128xi32, #tpu.memory_space<hbm>>
      %dma_wait3A_23 = arith.constant 0 : i32
      %dma_wait3A_24 = tpu.memref_slice %arg3[%mul3A_6, %dma_wait3A_23] : memref<2560x128xi32, #tpu.memory_space<hbm>> -> memref<80x128xi32, #tpu.memory_space<hbm>>
      tpu.wait_dma2 semaphore(%run_scoped3A : memref<!tpu.dma_semaphore, #tpu.memory_space<semaphore_mem>>) src(%dma_wait3A_24 : memref<80x128xi32, #tpu.memory_space<hbm>>) dst(%arg7 : memref<80x128xi32, #tpu.memory_space<vmem>>)
      tpu.yield
    }) : () -> ()
    %mul3A_7 = arith.constant 80 : i32
    %mul3A_8 = arith.muli %add3A, %mul3A_7 : i32
    "tpu.region"() ({
      %run_scoped3A = tpu.sem_alloc : memref<!tpu.dma_semaphore, #tpu.memory_space<semaphore_mem>>
      %dma_start3A = arith.constant 0 : i32
      %dma_start3A_19 = tpu.memref_slice %arg4[%mul3A_8, %dma_start3A] : memref<2560x128xi32, #tpu.memory_space<hbm>> -> memref<80x128xi32, #tpu.memory_space<hbm>>
      %dma_start3A_20 = arith.constant 0 : i32
      %dma_start3A_21 = tpu.memref_slice %arg4[%mul3A_8, %dma_start3A_20] : memref<2560x128xi32, #tpu.memory_space<hbm>> -> memref<80x128xi32, #tpu.memory_space<hbm>>
      tpu.enqueue_dma source(%dma_start3A_21 : memref<80x128xi32, #tpu.memory_space<hbm>>) target(%arg8 : memref<80x128xi32, #tpu.memory_space<vmem>>) target_semaphore(%run_scoped3A : memref<!tpu.dma_semaphore, #tpu.memory_space<semaphore_mem>>)
      %dma_wait3A = arith.constant 0 : i32
      %dma_wait3A_22 = tpu.memref_slice %arg4[%mul3A_8, %dma_wait3A] : memref<2560x128xi32, #tpu.memory_space<hbm>> -> memref<80x128xi32, #tpu.memory_space<hbm>>
      %dma_wait3A_23 = arith.constant 0 : i32
      %dma_wait3A_24 = tpu.memref_slice %arg4[%mul3A_8, %dma_wait3A_23] : memref<2560x128xi32, #tpu.memory_space<hbm>> -> memref<80x128xi32, #tpu.memory_space<hbm>>
      tpu.wait_dma2 semaphore(%run_scoped3A : memref<!tpu.dma_semaphore, #tpu.memory_space<semaphore_mem>>) src(%dma_wait3A_24 : memref<80x128xi32, #tpu.memory_space<hbm>>) dst(%arg8 : memref<80x128xi32, #tpu.memory_space<vmem>>)
      tpu.yield
    }) : () -> ()
    %barrier3A = arith.constant 0 : index
    tpu.barrier barrier_id(%barrier3A)
    %scan3A = arith.constant 0 : i32
    %scan3A_9 = arith.constant 0 : i32
    %scan3A_10 = arith.constant 80 : i32
    %scan3A_11 = arith.addi %scan3A_9, %scan3A_10 : i32
    %scan3A_12 = arith.constant 1 : i32
    scf.for %scan3A_19 = %scan3A_9 to %scan3A_11 step %scan3A_12  : i32 {
      %dma_start3A = arith.constant 0 : i32
      %dma_start3A_20 = tpu.memref_slice %arg7[%scan3A_19, %dma_start3A] : memref<80x128xi32, #tpu.memory_space<vmem>> -> memref<1x128xi32, #tpu.memory_space<vmem>>
      %dma_start3A_21 = tpu.memref_squeeze %dma_start3A_20 : memref<1x128xi32, #tpu.memory_space<vmem>> -> memref<128xi32, #tpu.memory_space<vmem>>
      %dma_start3A_22 = arith.constant 0 : i32
      %dma_start3A_23 = arith.constant 0 : i32
      %dma_start3A_24 = tpu.memref_slice %arg2[%dma_start3A_22, %dma_start3A_23] : memref<10000x48xf32, #tpu.memory_space<hbm>> -> memref<10000x48xf32, #tpu.memory_space<hbm>>
      tpu.enqueue_indirect_dma source(%dma_start3A_24 : memref<10000x48xf32, #tpu.memory_space<hbm>>) target(%arg9 : memref<128x48xf32, #tpu.memory_space<vmem>>) offsets(%dma_start3A_21 : memref<128xi32, #tpu.memory_space<vmem>>) semaphore(%arg11 : memref<!tpu.dma_semaphore, #tpu.memory_space<semaphore_mem>>)
      %dma_wait3A = arith.constant 0 : i32
      %dma_wait3A_25 = tpu.memref_slice %arg7[%scan3A_19, %dma_wait3A] : memref<80x128xi32, #tpu.memory_space<vmem>> -> memref<1x128xi32, #tpu.memory_space<vmem>>
      %dma_wait3A_26 = tpu.memref_squeeze %dma_wait3A_25 : memref<1x128xi32, #tpu.memory_space<vmem>> -> memref<128xi32, #tpu.memory_space<vmem>>
      %dma_wait3A_27 = arith.constant 0 : i32
      %dma_wait3A_28 = arith.constant 0 : i32
      %dma_wait3A_29 = tpu.memref_slice %arg2[%dma_wait3A_27, %dma_wait3A_28] : memref<10000x48xf32, #tpu.memory_space<hbm>> -> memref<10000x48xf32, #tpu.memory_space<hbm>>
      tpu.wait_indirect_dma semaphore(%arg11 : memref<!tpu.dma_semaphore, #tpu.memory_space<semaphore_mem>>) src(%dma_wait3A_29 : memref<10000x48xf32, #tpu.memory_space<hbm>>) dst(%arg9 : memref<128x48xf32, #tpu.memory_space<vmem>>)
      "tpu.region"() ({
        %run_scoped3A = tpu.sem_alloc : memref<!tpu.dma_semaphore, #tpu.memory_space<semaphore_mem>>
        %dma_start3A_30 = arith.constant 0 : i32
        %dma_start3A_31 = tpu.memref_slice %arg8[%scan3A_19, %dma_start3A_30] : memref<80x128xi32, #tpu.memory_space<vmem>> -> memref<1x128xi32, #tpu.memory_space<vmem>>
        %dma_start3A_32 = tpu.memref_squeeze %dma_start3A_31 : memref<1x128xi32, #tpu.memory_space<vmem>> -> memref<128xi32, #tpu.memory_space<vmem>>
        %dma_start3A_33 = arith.constant 0 : i32
        %dma_start3A_34 = arith.constant 0 : i32
        %dma_start3A_35 = tpu.memref_slice %arg10[%dma_start3A_33, %dma_start3A_34] : memref<10240x48xf32, #tpu.memory_space<vmem_shared>> -> memref<10240x48xf32, #tpu.memory_space<vmem_shared>>
        tpu.enqueue_indirect_dma source(%arg9 : memref<128x48xf32, #tpu.memory_space<vmem>>) target(%dma_start3A_35 : memref<10240x48xf32, #tpu.memory_space<vmem_shared>>) offsets(%dma_start3A_32 : memref<128xi32, #tpu.memory_space<vmem>>) semaphore(%run_scoped3A : memref<!tpu.dma_semaphore, #tpu.memory_space<semaphore_mem>>) {add = true}
        %dma_wait3A_36 = arith.constant 0 : i32
        %dma_wait3A_37 = tpu.memref_slice %arg8[%scan3A_19, %dma_wait3A_36] : memref<80x128xi32, #tpu.memory_space<vmem>> -> memref<1x128xi32, #tpu.memory_space<vmem>>
        %dma_wait3A_38 = tpu.memref_squeeze %dma_wait3A_37 : memref<1x128xi32, #tpu.memory_space<vmem>> -> memref<128xi32, #tpu.memory_space<vmem>>
        %dma_wait3A_39 = arith.constant 0 : i32
        %dma_wait3A_40 = arith.constant 0 : i32
        %dma_wait3A_41 = tpu.memref_slice %arg10[%dma_wait3A_39, %dma_wait3A_40] : memref<10240x48xf32, #tpu.memory_space<vmem_shared>> -> memref<10240x48xf32, #tpu.memory_space<vmem_shared>>
        tpu.wait_indirect_dma semaphore(%run_scoped3A : memref<!tpu.dma_semaphore, #tpu.memory_space<semaphore_mem>>) src(%arg9 : memref<128x48xf32, #tpu.memory_space<vmem>>) dst(%dma_wait3A_41 : memref<10240x48xf32, #tpu.memory_space<vmem_shared>>)
        tpu.yield
      }) : () -> ()
    }
    %scan3A_13 = arith.constant 80 : i32
    %barrier3A_14 = arith.constant 0 : index
    tpu.barrier barrier_id(%barrier3A_14)
    %mul3A_15 = arith.constant 640 : i32
    %mul3A_16 = arith.muli %arg1, %mul3A_15 : i32
    %mul3A_17 = arith.constant 640 : i32
    %mul3A_18 = arith.muli %arg1, %mul3A_17 : i32
    "tpu.region"() ({
      %run_scoped3A = tpu.sem_alloc : memref<!tpu.dma_semaphore, #tpu.memory_space<semaphore_mem>>
      %dma_start3A = arith.constant 0 : i32
      %dma_start3A_19 = tpu.memref_slice %arg6[%arg0, %mul3A_18, %dma_start3A] : memref<2x10240x48xf32, #tpu.memory_space<hbm>> -> memref<1x640x48xf32, #tpu.memory_space<hbm>>
      %dma_start3A_20 = tpu.memref_squeeze %dma_start3A_19 : memref<1x640x48xf32, #tpu.memory_space<hbm>> -> memref<640x48xf32, #tpu.memory_space<hbm>>
      %dma_start3A_21 = arith.constant 0 : i32
      %dma_start3A_22 = tpu.memref_slice %arg10[%mul3A_16, %dma_start3A_21] : memref<10240x48xf32, #tpu.memory_space<vmem_shared>> -> memref<640x48xf32, #tpu.memory_space<vmem_shared>>
      tpu.enqueue_dma source(%dma_start3A_22 : memref<640x48xf32, #tpu.memory_space<vmem_shared>>) target(%dma_start3A_20 : memref<640x48xf32, #tpu.memory_space<hbm>>) target_semaphore(%run_scoped3A : memref<!tpu.dma_semaphore, #tpu.memory_space<semaphore_mem>>)
      %dma_wait3A = arith.constant 0 : i32
      %dma_wait3A_23 = tpu.memref_slice %arg6[%arg0, %mul3A_18, %dma_wait3A] : memref<2x10240x48xf32, #tpu.memory_space<hbm>> -> memref<1x640x48xf32, #tpu.memory_space<hbm>>
      %dma_wait3A_24 = tpu.memref_squeeze %dma_wait3A_23 : memref<1x640x48xf32, #tpu.memory_space<hbm>> -> memref<640x48xf32, #tpu.memory_space<hbm>>
      %dma_wait3A_25 = arith.constant 0 : i32
      %dma_wait3A_26 = tpu.memref_slice %arg10[%mul3A_16, %dma_wait3A_25] : memref<10240x48xf32, #tpu.memory_space<vmem_shared>> -> memref<640x48xf32, #tpu.memory_space<vmem_shared>>
      tpu.wait_dma2 semaphore(%run_scoped3A : memref<!tpu.dma_semaphore, #tpu.memory_space<semaphore_mem>>) src(%dma_wait3A_26 : memref<640x48xf32, #tpu.memory_space<vmem_shared>>) dst(%dma_wait3A_24 : memref<640x48xf32, #tpu.memory_space<hbm>>)
      tpu.yield
    }) : () -> ()
    return
  }
}

#map = affine_map<(d0, d1) -> (0, 0)>
#map1 = affine_map<(d0, d1) -> (0)>
#map2 = affine_map<(d0, d1) -> (0, 0, 0)>
module attributes {stable_mosaic.version = 14 : i64} {
  func.func @_maxpool_kernel(%arg0: i32, %arg1: i32, %arg2: memref<10240x64xf32, #tpu.memory_space<hbm>>, %arg3: memref<10240xi32, #tpu.memory_space<hbm>>, %arg4: memref<32x128x64xf32, #tpu.memory_space<hbm>>, %arg5: memref<336xi32, #tpu.memory_space<vmem>>, %arg6: memref<320x64xf32, #tpu.memory_space<vmem>>, %arg7: memref<128x64xf32, #tpu.memory_space<vmem>>) attributes {dimension_semantics = [#tpu.dimension_semantics<core_parallel>, #tpu.dimension_semantics<subcore_parallel>], iteration_bounds = array<i64: 2, 16>, scalar_prefetch = 0 : i64, scratch_operands = 3 : i64, tpu.core_type = #tpu.core_type<sc_vector_subcore>, window_params = [{transform_indices = #map}, {transform_indices = #map1}, {transform_indices = #map2}]} {
    %mul3A = arith.constant 16 : i32
    %mul3A_0 = arith.muli %arg0, %mul3A : i32
    %add3A = arith.addi %mul3A_0, %arg1 : i32
    %mul3A_1 = arith.constant 320 : i32
    %mul3A_2 = arith.muli %add3A, %mul3A_1 : i32
    "tpu.region"() ({
      %run_scoped3A = tpu.sem_alloc : memref<!tpu.dma_semaphore, #tpu.memory_space<semaphore_mem>>
      %dma_start3A = arith.constant 0 : i32
      %dma_start3A_14 = tpu.memref_slice %arg5[%dma_start3A] : memref<336xi32, #tpu.memory_space<vmem>> -> memref<320xi32, #tpu.memory_space<vmem>>
      %dma_start3A_15 = tpu.memref_slice %arg3[%mul3A_2] : memref<10240xi32, #tpu.memory_space<hbm>> -> memref<320xi32, #tpu.memory_space<hbm>>
      %dma_start3A_16 = arith.constant 0 : i32
      %dma_start3A_17 = tpu.memref_slice %arg5[%dma_start3A_16] : memref<336xi32, #tpu.memory_space<vmem>> -> memref<320xi32, #tpu.memory_space<vmem>>
      %dma_start3A_18 = tpu.memref_slice %arg3[%mul3A_2] : memref<10240xi32, #tpu.memory_space<hbm>> -> memref<320xi32, #tpu.memory_space<hbm>>
      tpu.enqueue_dma source(%dma_start3A_18 : memref<320xi32, #tpu.memory_space<hbm>>) target(%dma_start3A_17 : memref<320xi32, #tpu.memory_space<vmem>>) target_semaphore(%run_scoped3A : memref<!tpu.dma_semaphore, #tpu.memory_space<semaphore_mem>>)
      %dma_wait3A = arith.constant 0 : i32
      %dma_wait3A_19 = tpu.memref_slice %arg5[%dma_wait3A] : memref<336xi32, #tpu.memory_space<vmem>> -> memref<320xi32, #tpu.memory_space<vmem>>
      %dma_wait3A_20 = tpu.memref_slice %arg3[%mul3A_2] : memref<10240xi32, #tpu.memory_space<hbm>> -> memref<320xi32, #tpu.memory_space<hbm>>
      %dma_wait3A_21 = arith.constant 0 : i32
      %dma_wait3A_22 = tpu.memref_slice %arg5[%dma_wait3A_21] : memref<336xi32, #tpu.memory_space<vmem>> -> memref<320xi32, #tpu.memory_space<vmem>>
      %dma_wait3A_23 = tpu.memref_slice %arg3[%mul3A_2] : memref<10240xi32, #tpu.memory_space<hbm>> -> memref<320xi32, #tpu.memory_space<hbm>>
      tpu.wait_dma2 semaphore(%run_scoped3A : memref<!tpu.dma_semaphore, #tpu.memory_space<semaphore_mem>>) src(%dma_wait3A_23 : memref<320xi32, #tpu.memory_space<hbm>>) dst(%dma_wait3A_22 : memref<320xi32, #tpu.memory_space<vmem>>)
      tpu.yield
    }) : () -> ()
    "tpu.region"() ({
      %run_scoped3A = tpu.sem_alloc : memref<!tpu.dma_semaphore, #tpu.memory_space<semaphore_mem>>
      %dma_start3A = arith.constant 0 : i32
      %dma_start3A_14 = tpu.memref_slice %arg2[%mul3A_2, %dma_start3A] : memref<10240x64xf32, #tpu.memory_space<hbm>> -> memref<320x64xf32, #tpu.memory_space<hbm>>
      %dma_start3A_15 = arith.constant 0 : i32
      %dma_start3A_16 = tpu.memref_slice %arg2[%mul3A_2, %dma_start3A_15] : memref<10240x64xf32, #tpu.memory_space<hbm>> -> memref<320x64xf32, #tpu.memory_space<hbm>>
      tpu.enqueue_dma source(%dma_start3A_16 : memref<320x64xf32, #tpu.memory_space<hbm>>) target(%arg6 : memref<320x64xf32, #tpu.memory_space<vmem>>) target_semaphore(%run_scoped3A : memref<!tpu.dma_semaphore, #tpu.memory_space<semaphore_mem>>)
      %dma_wait3A = arith.constant 0 : i32
      %dma_wait3A_17 = tpu.memref_slice %arg2[%mul3A_2, %dma_wait3A] : memref<10240x64xf32, #tpu.memory_space<hbm>> -> memref<320x64xf32, #tpu.memory_space<hbm>>
      %dma_wait3A_18 = arith.constant 0 : i32
      %dma_wait3A_19 = tpu.memref_slice %arg2[%mul3A_2, %dma_wait3A_18] : memref<10240x64xf32, #tpu.memory_space<hbm>> -> memref<320x64xf32, #tpu.memory_space<hbm>>
      tpu.wait_dma2 semaphore(%run_scoped3A : memref<!tpu.dma_semaphore, #tpu.memory_space<semaphore_mem>>) src(%dma_wait3A_19 : memref<320x64xf32, #tpu.memory_space<hbm>>) dst(%arg6 : memref<320x64xf32, #tpu.memory_space<vmem>>)
      tpu.yield
    }) : () -> ()
    %scan3A = arith.constant 0 : i32
    %scan3A_3 = arith.constant 0 : i32
    %scan3A_4 = arith.constant 128 : i32
    %scan3A_5 = arith.addi %scan3A_3, %scan3A_4 : i32
    %scan3A_6 = arith.constant 1 : i32
    scf.for %scan3A_14 = %scan3A_3 to %scan3A_5 step %scan3A_6  : i32 {
      %broadcast_in_dim3A = arith.constant 0xFF800000 : f32
      %broadcast_in_dim3A_15 = vector.broadcast %broadcast_in_dim3A : f32 to vector<16xf32>
      %swap3A = arith.index_cast %scan3A_14 : i32 to index
      %swap3A_16 = arith.constant 0 : index
      %swap3A_17 = tpu.vector_load %arg7[%swap3A, %swap3A_16] {strides = array<i32>} : memref<128x64xf32, #tpu.memory_space<vmem>>, vector<1x16xf32>,
      %swap3A_18 = vector.shape_cast %swap3A_17 : vector<1x16xf32> to vector<16xf32>
      %swap3A_19 = vector.shape_cast %broadcast_in_dim3A_15 : vector<16xf32> to vector<1x16xf32>
      tpu.vector_store %arg7[%swap3A, %swap3A_16], %swap3A_19 {strides = array<i32>} : memref<128x64xf32, #tpu.memory_space<vmem>>, vector<1x16xf32>,
      %broadcast_in_dim3A_20 = arith.constant 0xFF800000 : f32
      %broadcast_in_dim3A_21 = vector.broadcast %broadcast_in_dim3A_20 : f32 to vector<16xf32>
      %swap3A_22 = arith.index_cast %scan3A_14 : i32 to index
      %swap3A_23 = arith.constant 16 : index
      %swap3A_24 = tpu.vector_load %arg7[%swap3A_22, %swap3A_23] {strides = array<i32>} : memref<128x64xf32, #tpu.memory_space<vmem>>, vector<1x16xf32>,
      %swap3A_25 = vector.shape_cast %swap3A_24 : vector<1x16xf32> to vector<16xf32>
      %swap3A_26 = vector.shape_cast %broadcast_in_dim3A_21 : vector<16xf32> to vector<1x16xf32>
      tpu.vector_store %arg7[%swap3A_22, %swap3A_23], %swap3A_26 {strides = array<i32>} : memref<128x64xf32, #tpu.memory_space<vmem>>, vector<1x16xf32>,
      %broadcast_in_dim3A_27 = arith.constant 0xFF800000 : f32
      %broadcast_in_dim3A_28 = vector.broadcast %broadcast_in_dim3A_27 : f32 to vector<16xf32>
      %swap3A_29 = arith.index_cast %scan3A_14 : i32 to index
      %swap3A_30 = arith.constant 32 : index
      %swap3A_31 = tpu.vector_load %arg7[%swap3A_29, %swap3A_30] {strides = array<i32>} : memref<128x64xf32, #tpu.memory_space<vmem>>, vector<1x16xf32>,
      %swap3A_32 = vector.shape_cast %swap3A_31 : vector<1x16xf32> to vector<16xf32>
      %swap3A_33 = vector.shape_cast %broadcast_in_dim3A_28 : vector<16xf32> to vector<1x16xf32>
      tpu.vector_store %arg7[%swap3A_29, %swap3A_30], %swap3A_33 {strides = array<i32>} : memref<128x64xf32, #tpu.memory_space<vmem>>, vector<1x16xf32>,
      %broadcast_in_dim3A_34 = arith.constant 0xFF800000 : f32
      %broadcast_in_dim3A_35 = vector.broadcast %broadcast_in_dim3A_34 : f32 to vector<16xf32>
      %swap3A_36 = arith.index_cast %scan3A_14 : i32 to index
      %swap3A_37 = arith.constant 48 : index
      %swap3A_38 = tpu.vector_load %arg7[%swap3A_36, %swap3A_37] {strides = array<i32>} : memref<128x64xf32, #tpu.memory_space<vmem>>, vector<1x16xf32>,
      %swap3A_39 = vector.shape_cast %swap3A_38 : vector<1x16xf32> to vector<16xf32>
      %swap3A_40 = vector.shape_cast %broadcast_in_dim3A_35 : vector<16xf32> to vector<1x16xf32>
      tpu.vector_store %arg7[%swap3A_36, %swap3A_37], %swap3A_40 {strides = array<i32>} : memref<128x64xf32, #tpu.memory_space<vmem>>, vector<1x16xf32>,
    }
    %scan3A_7 = arith.constant 128 : i32
    %scan3A_8 = arith.constant 0 : i32
    %scan3A_9 = arith.constant 0 : i32
    %scan3A_10 = arith.constant 320 : i32
    %scan3A_11 = arith.addi %scan3A_9, %scan3A_10 : i32
    %scan3A_12 = arith.constant 1 : i32
    scf.for %scan3A_14 = %scan3A_9 to %scan3A_11 step %scan3A_12  : i32 {
      %get3A = arith.index_cast %scan3A_14 : i32 to index
      %get3A_15 = tpu.vector_load %arg5[%get3A] {strides = array<i32>} : memref<336xi32, #tpu.memory_space<vmem>>, vector<16xi32>,
      %get3A_16 = vector.shape_cast %get3A_15 : vector<16xi32> to vector<16xi32>
      %slice3A = vector.extract_strided_slice %get3A_16 {offsets = [0], sizes = [1], strides = [1]} : vector<16xi32> to vector<1xi32>
      %squeeze3A = vector.extract %slice3A[0] : i32 from vector<1xi32>
      %get3A_17 = arith.index_cast %squeeze3A : i32 to index
      %get3A_18 = arith.constant 0 : index
      %get3A_19 = tpu.vector_load %arg7[%get3A_17, %get3A_18] {strides = array<i32>} : memref<128x64xf32, #tpu.memory_space<vmem>>, vector<1x16xf32>,
      %get3A_20 = vector.shape_cast %get3A_19 : vector<1x16xf32> to vector<16xf32>
      %get3A_21 = arith.index_cast %scan3A_14 : i32 to index
      %get3A_22 = arith.constant 0 : index
      %get3A_23 = tpu.vector_load %arg6[%get3A_21, %get3A_22] {strides = array<i32>} : memref<320x64xf32, #tpu.memory_space<vmem>>, vector<1x16xf32>,
      %get3A_24 = vector.shape_cast %get3A_23 : vector<1x16xf32> to vector<16xf32>
      %max3A = arith.maximumf %get3A_20, %get3A_24 : vector<16xf32>
      %swap3A = arith.index_cast %squeeze3A : i32 to index
      %swap3A_25 = arith.constant 0 : index
      %swap3A_26 = tpu.vector_load %arg7[%swap3A, %swap3A_25] {strides = array<i32>} : memref<128x64xf32, #tpu.memory_space<vmem>>, vector<1x16xf32>,
      %swap3A_27 = vector.shape_cast %swap3A_26 : vector<1x16xf32> to vector<16xf32>
      %swap3A_28 = vector.shape_cast %max3A : vector<16xf32> to vector<1x16xf32>
      tpu.vector_store %arg7[%swap3A, %swap3A_25], %swap3A_28 {strides = array<i32>} : memref<128x64xf32, #tpu.memory_space<vmem>>, vector<1x16xf32>,
      %get3A_29 = arith.index_cast %squeeze3A : i32 to index
      %get3A_30 = arith.constant 16 : index
      %get3A_31 = tpu.vector_load %arg7[%get3A_29, %get3A_30] {strides = array<i32>} : memref<128x64xf32, #tpu.memory_space<vmem>>, vector<1x16xf32>,
      %get3A_32 = vector.shape_cast %get3A_31 : vector<1x16xf32> to vector<16xf32>
      %get3A_33 = arith.index_cast %scan3A_14 : i32 to index
      %get3A_34 = arith.constant 16 : index
      %get3A_35 = tpu.vector_load %arg6[%get3A_33, %get3A_34] {strides = array<i32>} : memref<320x64xf32, #tpu.memory_space<vmem>>, vector<1x16xf32>,
      %get3A_36 = vector.shape_cast %get3A_35 : vector<1x16xf32> to vector<16xf32>
      %max3A_37 = arith.maximumf %get3A_32, %get3A_36 : vector<16xf32>
      %swap3A_38 = arith.index_cast %squeeze3A : i32 to index
      %swap3A_39 = arith.constant 16 : index
      %swap3A_40 = tpu.vector_load %arg7[%swap3A_38, %swap3A_39] {strides = array<i32>} : memref<128x64xf32, #tpu.memory_space<vmem>>, vector<1x16xf32>,
      %swap3A_41 = vector.shape_cast %swap3A_40 : vector<1x16xf32> to vector<16xf32>
      %swap3A_42 = vector.shape_cast %max3A_37 : vector<16xf32> to vector<1x16xf32>
      tpu.vector_store %arg7[%swap3A_38, %swap3A_39], %swap3A_42 {strides = array<i32>} : memref<128x64xf32, #tpu.memory_space<vmem>>, vector<1x16xf32>,
      %get3A_43 = arith.index_cast %squeeze3A : i32 to index
      %get3A_44 = arith.constant 32 : index
      %get3A_45 = tpu.vector_load %arg7[%get3A_43, %get3A_44] {strides = array<i32>} : memref<128x64xf32, #tpu.memory_space<vmem>>, vector<1x16xf32>,
      %get3A_46 = vector.shape_cast %get3A_45 : vector<1x16xf32> to vector<16xf32>
      %get3A_47 = arith.index_cast %scan3A_14 : i32 to index
      %get3A_48 = arith.constant 32 : index
      %get3A_49 = tpu.vector_load %arg6[%get3A_47, %get3A_48] {strides = array<i32>} : memref<320x64xf32, #tpu.memory_space<vmem>>, vector<1x16xf32>,
      %get3A_50 = vector.shape_cast %get3A_49 : vector<1x16xf32> to vector<16xf32>
      %max3A_51 = arith.maximumf %get3A_46, %get3A_50 : vector<16xf32>
      %swap3A_52 = arith.index_cast %squeeze3A : i32 to index
      %swap3A_53 = arith.constant 32 : index
      %swap3A_54 = tpu.vector_load %arg7[%swap3A_52, %swap3A_53] {strides = array<i32>} : memref<128x64xf32, #tpu.memory_space<vmem>>, vector<1x16xf32>,
      %swap3A_55 = vector.shape_cast %swap3A_54 : vector<1x16xf32> to vector<16xf32>
      %swap3A_56 = vector.shape_cast %max3A_51 : vector<16xf32> to vector<1x16xf32>
      tpu.vector_store %arg7[%swap3A_52, %swap3A_53], %swap3A_56 {strides = array<i32>} : memref<128x64xf32, #tpu.memory_space<vmem>>, vector<1x16xf32>,
      %get3A_57 = arith.index_cast %squeeze3A : i32 to index
      %get3A_58 = arith.constant 48 : index
      %get3A_59 = tpu.vector_load %arg7[%get3A_57, %get3A_58] {strides = array<i32>} : memref<128x64xf32, #tpu.memory_space<vmem>>, vector<1x16xf32>,
      %get3A_60 = vector.shape_cast %get3A_59 : vector<1x16xf32> to vector<16xf32>
      %get3A_61 = arith.index_cast %scan3A_14 : i32 to index
      %get3A_62 = arith.constant 48 : index
      %get3A_63 = tpu.vector_load %arg6[%get3A_61, %get3A_62] {strides = array<i32>} : memref<320x64xf32, #tpu.memory_space<vmem>>, vector<1x16xf32>,
      %get3A_64 = vector.shape_cast %get3A_63 : vector<1x16xf32> to vector<16xf32>
      %max3A_65 = arith.maximumf %get3A_60, %get3A_64 : vector<16xf32>
      %swap3A_66 = arith.index_cast %squeeze3A : i32 to index
      %swap3A_67 = arith.constant 48 : index
      %swap3A_68 = tpu.vector_load %arg7[%swap3A_66, %swap3A_67] {strides = array<i32>} : memref<128x64xf32, #tpu.memory_space<vmem>>, vector<1x16xf32>,
      %swap3A_69 = vector.shape_cast %swap3A_68 : vector<1x16xf32> to vector<16xf32>
      %swap3A_70 = vector.shape_cast %max3A_65 : vector<16xf32> to vector<1x16xf32>
      tpu.vector_store %arg7[%swap3A_66, %swap3A_67], %swap3A_70 {strides = array<i32>} : memref<128x64xf32, #tpu.memory_space<vmem>>, vector<1x16xf32>,
    }
    %scan3A_13 = arith.constant 320 : i32
    "tpu.region"() ({
      %run_scoped3A = tpu.sem_alloc : memref<!tpu.dma_semaphore, #tpu.memory_space<semaphore_mem>>
      %dma_start3A = arith.constant 0 : i32
      %dma_start3A_14 = arith.constant 0 : i32
      %dma_start3A_15 = tpu.memref_slice %arg4[%add3A, %dma_start3A, %dma_start3A_14] : memref<32x128x64xf32, #tpu.memory_space<hbm>> -> memref<1x128x64xf32, #tpu.memory_space<hbm>>
      %dma_start3A_16 = tpu.memref_squeeze %dma_start3A_15 : memref<1x128x64xf32, #tpu.memory_space<hbm>> -> memref<128x64xf32, #tpu.memory_space<hbm>>
      %dma_start3A_17 = arith.constant 0 : i32
      %dma_start3A_18 = arith.constant 0 : i32
      %dma_start3A_19 = tpu.memref_slice %arg4[%add3A, %dma_start3A_17, %dma_start3A_18] : memref<32x128x64xf32, #tpu.memory_space<hbm>> -> memref<1x128x64xf32, #tpu.memory_space<hbm>>
      %dma_start3A_20 = tpu.memref_squeeze %dma_start3A_19 : memref<1x128x64xf32, #tpu.memory_space<hbm>> -> memref<128x64xf32, #tpu.memory_space<hbm>>
      tpu.enqueue_dma source(%arg7 : memref<128x64xf32, #tpu.memory_space<vmem>>) target(%dma_start3A_20 : memref<128x64xf32, #tpu.memory_space<hbm>>) target_semaphore(%run_scoped3A : memref<!tpu.dma_semaphore, #tpu.memory_space<semaphore_mem>>)
      %dma_wait3A = arith.constant 0 : i32
      %dma_wait3A_21 = arith.constant 0 : i32
      %dma_wait3A_22 = tpu.memref_slice %arg4[%add3A, %dma_wait3A, %dma_wait3A_21] : memref<32x128x64xf32, #tpu.memory_space<hbm>> -> memref<1x128x64xf32, #tpu.memory_space<hbm>>
      %dma_wait3A_23 = tpu.memref_squeeze %dma_wait3A_22 : memref<1x128x64xf32, #tpu.memory_space<hbm>> -> memref<128x64xf32, #tpu.memory_space<hbm>>
      %dma_wait3A_24 = arith.constant 0 : i32
      %dma_wait3A_25 = arith.constant 0 : i32
      %dma_wait3A_26 = tpu.memref_slice %arg4[%add3A, %dma_wait3A_24, %dma_wait3A_25] : memref<32x128x64xf32, #tpu.memory_space<hbm>> -> memref<1x128x64xf32, #tpu.memory_space<hbm>>
      %dma_wait3A_27 = tpu.memref_squeeze %dma_wait3A_26 : memref<1x128x64xf32, #tpu.memory_space<hbm>> -> memref<128x64xf32, #tpu.memory_space<hbm>>
      tpu.wait_dma2 semaphore(%run_scoped3A : memref<!tpu.dma_semaphore, #tpu.memory_space<semaphore_mem>>) src(%arg7 : memref<128x64xf32, #tpu.memory_space<vmem>>) dst(%dma_wait3A_27 : memref<128x64xf32, #tpu.memory_space<hbm>>)
      tpu.yield
    }) : () -> ()
    return
  }
}

module attributes {stable_mosaic.version = 14 : i64} {
  func.func @_tc1_body(%arg0: memref<10000x128xf32, #tpu.memory_space<vmem>>, %arg1: memref<128x32xf32, #tpu.memory_space<vmem>>, %arg2: memref<2x10240xf32, #tpu.memory_space<vmem>>, %arg3: memref<10000x32xf32, #tpu.memory_space<vmem>>, %arg4: memref<10000x1xf32, #tpu.memory_space<vmem>>) attributes {dimension_semantics = [], scalar_prefetch = 0 : i64, scratch_operands = 0 : i64, tpu.core_type = #tpu.core_type<tc>} {
    %get3A = arith.constant 0 : index
    %get3A_0 = arith.constant 0 : index
    %get3A_1 = vector.load %arg2[%get3A, %get3A_0] : memref<2x10240xf32, #tpu.memory_space<vmem>>, vector<2x10240xf32>
    %slice3A = vector.extract_strided_slice %get3A_1 {offsets = [0, 0], sizes = [1, 10000], strides = [1, 1]} : vector<2x10240xf32> to vector<1x10000xf32>
    %squeeze3A = vector.shape_cast %slice3A : vector<1x10000xf32> to vector<10000xf32>
    %add3A = arith.constant 1.000000e+00 : f32
    %add3A_2 = vector.broadcast %add3A : f32 to vector<10000xf32>
    %add3A_3 = arith.addf %add3A_2, %squeeze3A : vector<10000xf32>
    %slice3A_4 = vector.extract_strided_slice %get3A_1 {offsets = [1, 0], sizes = [1, 10000], strides = [1, 1]} : vector<2x10240xf32> to vector<1x10000xf32>
    %squeeze3A_5 = vector.shape_cast %slice3A_4 : vector<1x10000xf32> to vector<10000xf32>
    %add3A_6 = arith.addf %add3A_3, %squeeze3A_5 : vector<10000xf32>
    %rsqrt3A = math.rsqrt %add3A_6 : vector<10000xf32>
    %broadcast_in_dim3A = vector.shape_cast %rsqrt3A : vector<10000xf32> to vector<10000x1xf32>
    %swap3A = arith.constant 0 : index
    %swap3A_7 = arith.constant 0 : index
    %swap3A_8 = vector.load %arg4[%swap3A, %swap3A_7] : memref<10000x1xf32, #tpu.memory_space<vmem>>, vector<10000x1xf32>
    tpu.vector_store %arg4[%swap3A, %swap3A_7], %broadcast_in_dim3A {strides = array<i32>} : memref<10000x1xf32, #tpu.memory_space<vmem>>, vector<10000x1xf32>,
    %get3A_9 = arith.constant 0 : index
    %get3A_10 = arith.constant 0 : index
    %get3A_11 = vector.load %arg0[%get3A_9, %get3A_10] : memref<10000x128xf32, #tpu.memory_space<vmem>>, vector<10000x128xf32>
    %get3A_12 = arith.constant 0 : index
    %get3A_13 = arith.constant 0 : index
    %get3A_14 = vector.load %arg1[%get3A_12, %get3A_13] : memref<128x32xf32, #tpu.memory_space<vmem>>, vector<128x32xf32>
    %dot_general3A = arith.constant dense<0.000000e+00> : vector<10000x32xf32>
    %dot_general3A_15 = tpu.matmul %get3A_11, %get3A_14, %dot_general3A {dimension_numbers = #tpu.dot_dimension_numbers<[1], [0], [0], [1], [0, 0, 1, 1], [], []>, transpose_lhs_hint = false} : vector<10000x128xf32>, vector<128x32xf32>, vector<10000x32xf32> -> vector<10000x32xf32>
    %mul3A = vector.broadcast %broadcast_in_dim3A : vector<10000x1xf32> to vector<10000x32xf32>
    %mul3A_16 = arith.mulf %mul3A, %dot_general3A_15 : vector<10000x32xf32>
    %swap3A_17 = arith.constant 0 : index
    %swap3A_18 = arith.constant 0 : index
    %swap3A_19 = vector.load %arg3[%swap3A_17, %swap3A_18] : memref<10000x32xf32, #tpu.memory_space<vmem>>, vector<10000x32xf32>
    tpu.vector_store %arg3[%swap3A_17, %swap3A_18], %mul3A_16 {strides = array<i32>} : memref<10000x32xf32, #tpu.memory_space<vmem>>, vector<10000x32xf32>,
    return
  }
}

module attributes {stable_mosaic.version = 14 : i64} {
  func.func @_tc_mid_body(%arg0: memref<2x10240x32xf32, #tpu.memory_space<vmem>>, %arg1: memref<10000x32xf32, #tpu.memory_space<vmem>>, %arg2: memref<10000x1xf32, #tpu.memory_space<vmem>>, %arg3: memref<1x32xf32, #tpu.memory_space<vmem>>, %arg4: memref<32x48xf32, #tpu.memory_space<vmem>>, %arg5: memref<10000x48xf32, #tpu.memory_space<vmem>>) attributes {dimension_semantics = [], scalar_prefetch = 0 : i64, scratch_operands = 0 : i64, tpu.core_type = #tpu.core_type<tc>} {
    %get3A = arith.constant 0 : index
    %get3A_0 = arith.constant 0 : index
    %get3A_1 = arith.constant 0 : index
    %get3A_2 = vector.load %arg0[%get3A, %get3A_0, %get3A_1] : memref<2x10240x32xf32, #tpu.memory_space<vmem>>, vector<2x10240x32xf32>
    %slice3A = vector.extract_strided_slice %get3A_2 {offsets = [0, 0, 0], sizes = [1, 10000, 32], strides = [1, 1, 1]} : vector<2x10240x32xf32> to vector<1x10000x32xf32>
    %squeeze3A = vector.shape_cast %slice3A : vector<1x10000x32xf32> to vector<10000x32xf32>
    %slice3A_3 = vector.extract_strided_slice %get3A_2 {offsets = [1, 0, 0], sizes = [1, 10000, 32], strides = [1, 1, 1]} : vector<2x10240x32xf32> to vector<1x10000x32xf32>
    %squeeze3A_4 = vector.shape_cast %slice3A_3 : vector<1x10000x32xf32> to vector<10000x32xf32>
    %add3A = arith.addf %squeeze3A, %squeeze3A_4 : vector<10000x32xf32>
    %get3A_5 = arith.constant 0 : index
    %get3A_6 = arith.constant 0 : index
    %get3A_7 = vector.load %arg2[%get3A_5, %get3A_6] : memref<10000x1xf32, #tpu.memory_space<vmem>>, vector<10000x1xf32>
    %get3A_8 = arith.constant 0 : index
    %get3A_9 = arith.constant 0 : index
    %get3A_10 = vector.load %arg1[%get3A_8, %get3A_9] : memref<10000x32xf32, #tpu.memory_space<vmem>>, vector<10000x32xf32>
    %add3A_11 = arith.addf %add3A, %get3A_10 : vector<10000x32xf32>
    %mul3A = vector.broadcast %get3A_7 : vector<10000x1xf32> to vector<10000x32xf32>
    %mul3A_12 = arith.mulf %mul3A, %add3A_11 : vector<10000x32xf32>
    %get3A_13 = arith.constant 0 : index
    %get3A_14 = arith.constant 0 : index
    %get3A_15 = vector.load %arg3[%get3A_13, %get3A_14] : memref<1x32xf32, #tpu.memory_space<vmem>>, vector<1x32xf32>
    %add3A_16 = vector.broadcast %get3A_15 : vector<1x32xf32> to vector<10000x32xf32>
    %add3A_17 = arith.addf %mul3A_12, %add3A_16 : vector<10000x32xf32>
    %max3A = arith.constant 0.000000e+00 : f32
    %max3A_18 = vector.broadcast %max3A : f32 to vector<10000x32xf32>
    %max3A_19 = arith.maximumf %add3A_17, %max3A_18 : vector<10000x32xf32>
    %get3A_20 = arith.constant 0 : index
    %get3A_21 = arith.constant 0 : index
    %get3A_22 = vector.load %arg2[%get3A_20, %get3A_21] : memref<10000x1xf32, #tpu.memory_space<vmem>>, vector<10000x1xf32>
    %get3A_23 = arith.constant 0 : index
    %get3A_24 = arith.constant 0 : index
    %get3A_25 = vector.load %arg4[%get3A_23, %get3A_24] : memref<32x48xf32, #tpu.memory_space<vmem>>, vector<32x48xf32>
    %dot_general3A = arith.constant dense<0.000000e+00> : vector<10000x48xf32>
    %dot_general3A_26 = tpu.matmul %max3A_19, %get3A_25, %dot_general3A {dimension_numbers = #tpu.dot_dimension_numbers<[1], [0], [0], [1], [0, 0, 1, 1], [], []>, transpose_lhs_hint = false} : vector<10000x32xf32>, vector<32x48xf32>, vector<10000x48xf32> -> vector<10000x48xf32>
    %mul3A_27 = vector.broadcast %get3A_22 : vector<10000x1xf32> to vector<10000x48xf32>
    %mul3A_28 = arith.mulf %mul3A_27, %dot_general3A_26 : vector<10000x48xf32>
    %swap3A = arith.constant 0 : index
    %swap3A_29 = arith.constant 0 : index
    %swap3A_30 = vector.load %arg5[%swap3A, %swap3A_29] : memref<10000x48xf32, #tpu.memory_space<vmem>>, vector<10000x48xf32>
    tpu.vector_store %arg5[%swap3A, %swap3A_29], %mul3A_28 {strides = array<i32>} : memref<10000x48xf32, #tpu.memory_space<vmem>>, vector<10000x48xf32>,
    return
  }
}

module attributes {stable_mosaic.version = 14 : i64} {
  func.func @_tc_mid_body(%arg0: memref<2x10240x48xf32, #tpu.memory_space<vmem>>, %arg1: memref<10000x48xf32, #tpu.memory_space<vmem>>, %arg2: memref<10000x1xf32, #tpu.memory_space<vmem>>, %arg3: memref<1x48xf32, #tpu.memory_space<vmem>>, %arg4: memref<48x64xf32, #tpu.memory_space<vmem>>, %arg5: memref<10000x64xf32, #tpu.memory_space<vmem>>) attributes {dimension_semantics = [], scalar_prefetch = 0 : i64, scratch_operands = 0 : i64, tpu.core_type = #tpu.core_type<tc>} {
    %get3A = arith.constant 0 : index
    %get3A_0 = arith.constant 0 : index
    %get3A_1 = arith.constant 0 : index
    %get3A_2 = vector.load %arg0[%get3A, %get3A_0, %get3A_1] : memref<2x10240x48xf32, #tpu.memory_space<vmem>>, vector<2x10240x48xf32>
    %slice3A = vector.extract_strided_slice %get3A_2 {offsets = [0, 0, 0], sizes = [1, 10000, 48], strides = [1, 1, 1]} : vector<2x10240x48xf32> to vector<1x10000x48xf32>
    %squeeze3A = vector.shape_cast %slice3A : vector<1x10000x48xf32> to vector<10000x48xf32>
    %slice3A_3 = vector.extract_strided_slice %get3A_2 {offsets = [1, 0, 0], sizes = [1, 10000, 48], strides = [1, 1, 1]} : vector<2x10240x48xf32> to vector<1x10000x48xf32>
    %squeeze3A_4 = vector.shape_cast %slice3A_3 : vector<1x10000x48xf32> to vector<10000x48xf32>
    %add3A = arith.addf %squeeze3A, %squeeze3A_4 : vector<10000x48xf32>
    %get3A_5 = arith.constant 0 : index
    %get3A_6 = arith.constant 0 : index
    %get3A_7 = vector.load %arg2[%get3A_5, %get3A_6] : memref<10000x1xf32, #tpu.memory_space<vmem>>, vector<10000x1xf32>
    %get3A_8 = arith.constant 0 : index
    %get3A_9 = arith.constant 0 : index
    %get3A_10 = vector.load %arg1[%get3A_8, %get3A_9] : memref<10000x48xf32, #tpu.memory_space<vmem>>, vector<10000x48xf32>
    %add3A_11 = arith.addf %add3A, %get3A_10 : vector<10000x48xf32>
    %mul3A = vector.broadcast %get3A_7 : vector<10000x1xf32> to vector<10000x48xf32>
    %mul3A_12 = arith.mulf %mul3A, %add3A_11 : vector<10000x48xf32>
    %get3A_13 = arith.constant 0 : index
    %get3A_14 = arith.constant 0 : index
    %get3A_15 = vector.load %arg3[%get3A_13, %get3A_14] : memref<1x48xf32, #tpu.memory_space<vmem>>, vector<1x48xf32>
    %add3A_16 = vector.broadcast %get3A_15 : vector<1x48xf32> to vector<10000x48xf32>
    %add3A_17 = arith.addf %mul3A_12, %add3A_16 : vector<10000x48xf32>
    %max3A = arith.constant 0.000000e+00 : f32
    %max3A_18 = vector.broadcast %max3A : f32 to vector<10000x48xf32>
    %max3A_19 = arith.maximumf %add3A_17, %max3A_18 : vector<10000x48xf32>
    %get3A_20 = arith.constant 0 : index
    %get3A_21 = arith.constant 0 : index
    %get3A_22 = vector.load %arg2[%get3A_20, %get3A_21] : memref<10000x1xf32, #tpu.memory_space<vmem>>, vector<10000x1xf32>
    %get3A_23 = arith.constant 0 : index
    %get3A_24 = arith.constant 0 : index
    %get3A_25 = vector.load %arg4[%get3A_23, %get3A_24] : memref<48x64xf32, #tpu.memory_space<vmem>>, vector<48x64xf32>
    %dot_general3A = arith.constant dense<0.000000e+00> : vector<10000x64xf32>
    %dot_general3A_26 = tpu.matmul %max3A_19, %get3A_25, %dot_general3A {dimension_numbers = #tpu.dot_dimension_numbers<[1], [0], [0], [1], [0, 0, 1, 1], [], []>, transpose_lhs_hint = false} : vector<10000x48xf32>, vector<48x64xf32>, vector<10000x64xf32> -> vector<10000x64xf32>
    %mul3A_27 = vector.broadcast %get3A_22 : vector<10000x1xf32> to vector<10000x64xf32>
    %mul3A_28 = arith.mulf %mul3A_27, %dot_general3A_26 : vector<10000x64xf32>
    %swap3A = arith.constant 0 : index
    %swap3A_29 = arith.constant 0 : index
    %swap3A_30 = vector.load %arg5[%swap3A, %swap3A_29] : memref<10000x64xf32, #tpu.memory_space<vmem>>, vector<10000x64xf32>
    tpu.vector_store %arg5[%swap3A, %swap3A_29], %mul3A_28 {strides = array<i32>} : memref<10000x64xf32, #tpu.memory_space<vmem>>, vector<10000x64xf32>,
    return
  }
}

module attributes {stable_mosaic.version = 14 : i64} {
  func.func @_tc_last_body(%arg0: memref<2x10240x64xf32, #tpu.memory_space<vmem>>, %arg1: memref<10000x64xf32, #tpu.memory_space<vmem>>, %arg2: memref<10000x1xf32, #tpu.memory_space<vmem>>, %arg3: memref<1x64xf32, #tpu.memory_space<vmem>>, %arg4: memref<10000x64xf32, #tpu.memory_space<vmem>>) attributes {dimension_semantics = [], scalar_prefetch = 0 : i64, scratch_operands = 0 : i64, tpu.core_type = #tpu.core_type<tc>} {
    %get3A = arith.constant 0 : index
    %get3A_0 = arith.constant 0 : index
    %get3A_1 = arith.constant 0 : index
    %get3A_2 = vector.load %arg0[%get3A, %get3A_0, %get3A_1] : memref<2x10240x64xf32, #tpu.memory_space<vmem>>, vector<2x10240x64xf32>
    %slice3A = vector.extract_strided_slice %get3A_2 {offsets = [0, 0, 0], sizes = [1, 10000, 64], strides = [1, 1, 1]} : vector<2x10240x64xf32> to vector<1x10000x64xf32>
    %squeeze3A = vector.shape_cast %slice3A : vector<1x10000x64xf32> to vector<10000x64xf32>
    %slice3A_3 = vector.extract_strided_slice %get3A_2 {offsets = [1, 0, 0], sizes = [1, 10000, 64], strides = [1, 1, 1]} : vector<2x10240x64xf32> to vector<1x10000x64xf32>
    %squeeze3A_4 = vector.shape_cast %slice3A_3 : vector<1x10000x64xf32> to vector<10000x64xf32>
    %add3A = arith.addf %squeeze3A, %squeeze3A_4 : vector<10000x64xf32>
    %get3A_5 = arith.constant 0 : index
    %get3A_6 = arith.constant 0 : index
    %get3A_7 = vector.load %arg2[%get3A_5, %get3A_6] : memref<10000x1xf32, #tpu.memory_space<vmem>>, vector<10000x1xf32>
    %get3A_8 = arith.constant 0 : index
    %get3A_9 = arith.constant 0 : index
    %get3A_10 = vector.load %arg1[%get3A_8, %get3A_9] : memref<10000x64xf32, #tpu.memory_space<vmem>>, vector<10000x64xf32>
    %add3A_11 = arith.addf %add3A, %get3A_10 : vector<10000x64xf32>
    %mul3A = vector.broadcast %get3A_7 : vector<10000x1xf32> to vector<10000x64xf32>
    %mul3A_12 = arith.mulf %mul3A, %add3A_11 : vector<10000x64xf32>
    %get3A_13 = arith.constant 0 : index
    %get3A_14 = arith.constant 0 : index
    %get3A_15 = vector.load %arg3[%get3A_13, %get3A_14] : memref<1x64xf32, #tpu.memory_space<vmem>>, vector<1x64xf32>
    %add3A_16 = vector.broadcast %get3A_15 : vector<1x64xf32> to vector<10000x64xf32>
    %add3A_17 = arith.addf %mul3A_12, %add3A_16 : vector<10000x64xf32>
    %max3A = arith.constant 0.000000e+00 : f32
    %max3A_18 = vector.broadcast %max3A : f32 to vector<10000x64xf32>
    %max3A_19 = arith.maximumf %add3A_17, %max3A_18 : vector<10000x64xf32>
    %swap3A = arith.constant 0 : index
    %swap3A_20 = arith.constant 0 : index
    %swap3A_21 = vector.load %arg4[%swap3A, %swap3A_20] : memref<10000x64xf32, #tpu.memory_space<vmem>>, vector<10000x64xf32>
    tpu.vector_store %arg4[%swap3A, %swap3A_20], %max3A_19 {strides = array<i32>} : memref<10000x64xf32, #tpu.memory_space<vmem>>, vector<10000x64xf32>,
    return
  }
}

module attributes {stable_mosaic.version = 14 : i64} {
  func.func @_tc_final_body(%arg0: memref<32x128x64xf32, #tpu.memory_space<vmem>>, %arg1: memref<10000x64xf32, #tpu.memory_space<vmem>>, %arg2: memref<10000x1xi32, #tpu.memory_space<vmem>>, %arg3: memref<128x32xf32, #tpu.memory_space<vmem>>, %arg4: memref<1x32xf32, #tpu.memory_space<vmem>>, %arg5: memref<128x32xf32, #tpu.memory_space<vmem>>) attributes {dimension_semantics = [], scalar_prefetch = 0 : i64, scratch_operands = 0 : i64, tpu.core_type = #tpu.core_type<tc>} {
    %get3A = arith.constant 0 : index
    %get3A_0 = arith.constant 0 : index
    %get3A_1 = arith.constant 0 : index
    %get3A_2 = vector.load %arg0[%get3A, %get3A_0, %get3A_1] : memref<32x128x64xf32, #tpu.memory_space<vmem>>, vector<32x128x64xf32>
    %reduce_max3A = arith.constant dense<0xFF800000> : vector<128x64xf32>
    %reduce_max3A_3 = vector.multi_reduction <maximumf>, %get3A_2, %reduce_max3A [0] : vector<32x128x64xf32> to vector<128x64xf32>
    %get3A_4 = arith.constant 0 : index
    %get3A_5 = arith.constant 0 : index
    %get3A_6 = vector.load %arg2[%get3A_4, %get3A_5] : memref<10000x1xi32, #tpu.memory_space<vmem>>, vector<10000x1xi32>
    %iota3A = tpu.iota {dimensions = array<i32: 1>} : vector<1x128xi32>
    %eq3A = vector.broadcast %get3A_6 : vector<10000x1xi32> to vector<10000x128xi32>
    %eq3A_7 = vector.broadcast %iota3A : vector<1x128xi32> to vector<10000x128xi32>
    %eq3A_8 = arith.cmpi eq, %eq3A, %eq3A_7 : vector<10000x128xi32>
    %convert_element_type3A = arith.extui %eq3A_8 : vector<10000x128xi1> to vector<10000x128xi32>
    %convert_element_type3A_9 = arith.sitofp %convert_element_type3A : vector<10000x128xi32> to vector<10000x128xf32>
    %get3A_10 = arith.constant 0 : index
    %get3A_11 = arith.constant 0 : index
    %get3A_12 = vector.load %arg1[%get3A_10, %get3A_11] : memref<10000x64xf32, #tpu.memory_space<vmem>>, vector<10000x64xf32>
    %dot_general3A = arith.constant dense<0.000000e+00> : vector<128x64xf32>
    %dot_general3A_13 = tpu.matmul %convert_element_type3A_9, %get3A_12, %dot_general3A {dimension_numbers = #tpu.dot_dimension_numbers<[0], [0], [1], [1], [0, 1, 1, 1], [], []>, transpose_lhs_hint = false} : vector<10000x128xf32>, vector<10000x64xf32>, vector<128x64xf32> -> vector<128x64xf32>
    %reduce_sum3A = arith.constant dense<0.000000e+00> : vector<128xf32>
    %reduce_sum3A_14 = vector.multi_reduction <add>, %convert_element_type3A_9, %reduce_sum3A [0] : vector<10000x128xf32> to vector<128xf32>
    %broadcast_in_dim3A = vector.shape_cast %reduce_sum3A_14 : vector<128xf32> to vector<128x1xf32>
    %max3A = arith.constant 1.000000e+00 : f32
    %max3A_15 = vector.broadcast %max3A : f32 to vector<128x1xf32>
    %max3A_16 = arith.maximumf %broadcast_in_dim3A, %max3A_15 : vector<128x1xf32>
    %div3A = vector.broadcast %max3A_16 : vector<128x1xf32> to vector<128x64xf32>
    %div3A_17 = arith.divf %dot_general3A_13, %div3A : vector<128x64xf32>
    %concatenate3A = tpu.concatenate %reduce_max3A_3, %div3A_17 in 1 : vector<128x64xf32>, vector<128x64xf32> -> vector<128x128xf32>
    %get3A_18 = arith.constant 0 : index
    %get3A_19 = arith.constant 0 : index
    %get3A_20 = vector.load %arg3[%get3A_18, %get3A_19] : memref<128x32xf32, #tpu.memory_space<vmem>>, vector<128x32xf32>
    %dot_general3A_21 = arith.constant dense<0.000000e+00> : vector<128x32xf32>
    %dot_general3A_22 = tpu.matmul %concatenate3A, %get3A_20, %dot_general3A_21 {dimension_numbers = #tpu.dot_dimension_numbers<[1], [0], [0], [1], [0, 0, 1, 1], [], []>, transpose_lhs_hint = false} : vector<128x128xf32>, vector<128x32xf32>, vector<128x32xf32> -> vector<128x32xf32>
    %get3A_23 = arith.constant 0 : index
    %get3A_24 = arith.constant 0 : index
    %get3A_25 = vector.load %arg4[%get3A_23, %get3A_24] : memref<1x32xf32, #tpu.memory_space<vmem>>, vector<1x32xf32>
    %add3A = vector.broadcast %get3A_25 : vector<1x32xf32> to vector<128x32xf32>
    %add3A_26 = arith.addf %dot_general3A_22, %add3A : vector<128x32xf32>
    %swap3A = arith.constant 0 : index
    %swap3A_27 = arith.constant 0 : index
    %swap3A_28 = vector.load %arg5[%swap3A, %swap3A_27] : memref<128x32xf32, #tpu.memory_space<vmem>>, vector<128x32xf32>
    tpu.vector_store %arg5[%swap3A, %swap3A_27], %add3A_26 {strides = array<i32>} : memref<128x32xf32, #tpu.memory_space<vmem>>, vector<128x32xf32>,
    return
  }
}

</mosaic_0001>

<sc_bundles>
// kernel: kernel.12.cloned.1.call-start
scs
__scs_entry_jumppad:
0x0: {  	(pc) =	sbr.rel $0x88, $3  }
0x1: {  	(tag) =	ssettag $0x0;
	lr =	simm.s32 $0x1  }
0x2: {  	[smem:$0x3F96] =	sst lr;
	_ =	strace $0xD0000000  }
0x3: {  	_ = 	snop  }
0x4: {  	_ = 	snop  }
0x5: {  	_ = 	snop  }
0x6: {  	_ = 	snop  }
0x7: {  	_ = 	snop  }
__scs_overlays_trampoline_lowered:
0x8: {  	[smem:$0x3FA5] =	sst s0  }
0x9: {  	[smem:$0x3FA6] =	sst s1  }
0xa: {  	[smem:$0x3FA7] =	sst s2  }
0xb: {  	[smem:$0x3FA8] =	sst s3  }
0xc: {  	[smem:$0x3FA9] =	sst s4  }
0xd: {  	[smem:$0x3FAA] =	sst s5  }
0xe: {  	[smem:$0x3FAB] =	sst s6  }
0xf: {  	[smem:$0x3FAC] =	sst s7  }
0x10: {  	[smem:$0x3FAD] =	sst s8  }
0x11: {  	[smem:$0x3FAE] =	sst s9;
	s0 =	simm.s32 @!p0 $0x0  }
0x12: {  	s1 =	sld [smem:$0x3F94];
	s0 =	simm.s32 @p0 $0x1  }
0x13: {  	[smem:$0x3FAF] =	sst s0;
	s0 =	simm.s32 @!p1 $0x0  }
0x14: {  	s2 =	sld [smem:$0x3F93];
	s0 =	simm.s32 @p1 $0x1  }
0x15: {  	[smem:$0x3FB0] =	sst s0;
	s0 =	simm.s32 @!p2 $0x0  }
0x16: {  	s3 =	sld [smem:$0x3FDB];
	s0 =	simm.s32 @p2 $0x1  }
0x17: {  	s4 =	simm.s32 $0x1BF5;
	[smem:$0x3FB2] =	sst s0  }
0x18: {  	s0 =	sld [smem:$0x3F95];
	_ =	swait.ge [sflag:s4], $0x0  }
0x19: {  	s7 =	sld [smem:$0x3F96]  }
0x1a: {  	s8 =	sadd.s32 $0xFFFFE003, lr  }
0x1b: {  	s9 =	sadd.s32 $0xFFFFFEF7, lr;
	s5 =	simm.s32 $0xFFFFFFFF;
	p2 =	slt.u32 s8, $0xFFFFF086  }
0x1c: {  	p1 =	slt.u32 s9, $0xF7A;
	s5 =	simm.s32 @!p2 $0x0  }
0x1d: {  	s5 =	simm.s32 @p1 $0x1;
	p0 =	seq.s32 s7, s2  }
0x1e: {  	s7 =	smul.u32 @!p0 $0xF7A, s2;
	p2 =	seq.s32 @!p0 s5, $0x0  }
0x1f: {  	s9 =	smul.u32 $0xF7A, s1;
	s8 =	simm.s32 @!p0 $0x1BF5;
	p2 =	por !p2, p0  }
0x20: {  	[sflag:s8] =	ssyncset.s32 @!p0 $0xFFFFF086;
	s6 =	sadd.s32 @!p0 s3, s7;
	s7 =	simm.s32 @!p0 $0x108  }
0x21: {  	s3 =	sadd.s32 s3, s9;
	s6 =	sadd.s32 @!p0 $0x88, s6;
	s7 =	simm.s32 @p2 $0x1082  }
0x22: {  	[simem:s7], [sflag:s8] =	dma.local @!p0 [hbm:s6], $0xF7A  }
0x23: {  	s9 =	sor.u32 $0xD0000000, s2;
	s6 =	simm.s32 $0x108;
	_ =	swait.ge @!p0 [sflag:s8], $0x0  }
0x24: {  	s3 =	sadd.s32 $0x88, s3;
	s6 =	simm.s32 @!p1 $0x1082;
	[sflag:s4] =	ssyncset.s32 $0xFFFFF086  }
0x25: {  	[simem:s6], [sflag:s4] =	dma.local [hbm:s3], $0xF7A  }
0x26: {  	[smem:$0x3F96] =	sst s1;
	(tag) =	ssettag s2;
	_ =	strace s9  }
0x27: {  	s1 =	sld [smem:$0x3FA6]  }
0x28: {  	s2 =	sld [smem:$0x3FA7]  }
0x29: {  	s4 =	sld [smem:$0x3FA9]  }
0x2a: {  	p0 =	seq.s32 s5, $0x0;
	s5 =	sld [smem:$0x3FAA]  }
0x2b: {  	s6 =	sld [smem:$0x3FAB]  }
0x2c: {  	s7 =	sld [smem:$0x3FAC]  }
0x2d: {  	s3 =	simm.s32 $0x108;
	s8 =	sld [smem:$0x3FAD]  }
0x2e: {  	s3 =	simm.s32 @!p0 $0x1082;
	s9 =	sld [smem:$0x3FAE]  }
0x2f: {  	lr =	sadd.s32 s0, s3;
	s0 =	sld [smem:$0x3FA5]  }
0x30: {  	s3 =	sld [smem:$0x3FA8]  }
0x31: {  	[smem:$0x3FB1] =	sst s10  }
0x32: {  	s10 =	sld [smem:$0x3FAF];
	_ =	sdelay $0x3  }
0x33: {  	p0 =	seq.s32 s10, $0x1;
	s10 =	sld [smem:$0x3FB1];
	_ =	sdelay $0x3  }
0x34: {  	[smem:$0x3FB1] =	sst s10  }
0x35: {  	s10 =	sld [smem:$0x3FB0];
	_ =	sdelay $0x3  }
0x36: {  	p1 =	seq.s32 s10, $0x1;
	s10 =	sld [smem:$0x3FB1];
	_ =	sdelay $0x3  }
0x37: {  	[smem:$0x3FB1] =	sst s10  }
0x38: {  	s10 =	sld [smem:$0x3FB2]  }
0x39: {  	_ = 	snop;
	(pc) =	sbr.ind lr, $3  }
0x3a: {  	_ = 	snop  }
0x3b: {  	_ = 	snop  }
0x3c: {  	p2 =	seq.s32 s10, $0x1;
	s10 =	sld [smem:$0x3FB1]  }
0x3d: {  	_ =	shalt  }
0x3e: {  	_ =	shalt  }
0x3f: {  	_ =	shalt  }
0x40: {  	_ =	shalt  }
0x41: {  	_ =	shalt  }
0x42: {  	_ =	shalt  }
0x43: {  	_ =	shalt  }
0x44: {  	_ =	shalt  }
0x45: {  	_ =	shalt  }
0x46: {  	_ =	shalt  }
0x47: {  	_ =	shalt  }
0x48: {  	_ =	shalt  }
0x49: {  	_ =	shalt  }
0x4a: {  	_ =	shalt  }
0x4b: {  	_ =	shalt  }
0x4c: {  	_ =	shalt  }
0x4d: {  	_ =	shalt  }
0x4e: {  	_ =	shalt  }
0x4f: {  	_ =	shalt  }
0x50: {  	_ =	shalt  }
0x51: {  	_ =	shalt  }
0x52: {  	_ =	shalt  }
0x53: {  	_ =	shalt  }
0x54: {  	_ =	shalt  }
0x55: {  	_ =	shalt  }
0x56: {  	_ =	shalt  }
0x57: {  	_ =	shalt  }
0x58: {  	_ =	shalt  }
0x59: {  	_ =	shalt  }
0x5a: {  	_ =	shalt  }
0x5b: {  	_ =	shalt  }
0x5c: {  	_ =	shalt  }
0x5d: {  	_ =	shalt  }
0x5e: {  	_ =	shalt  }
0x5f: {  	_ =	shalt  }
0x60: {  	_ =	shalt  }
0x61: {  	_ =	shalt  }
0x62: {  	_ =	shalt  }
0x63: {  	_ =	shalt  }
0x64: {  	_ =	shalt  }
0x65: {  	_ =	shalt  }
0x66: {  	_ =	shalt  }
0x67: {  	_ =	shalt  }
0x68: {  	_ =	shalt  }
0x69: {  	_ =	shalt  }
0x6a: {  	_ =	shalt  }
0x6b: {  	_ =	shalt  }
0x6c: {  	_ =	shalt  }
0x6d: {  	_ =	shalt  }
0x6e: {  	_ =	shalt  }
0x6f: {  	_ =	shalt  }
0x70: {  	_ =	shalt  }
0x71: {  	_ =	shalt  }
0x72: {  	_ =	shalt  }
0x73: {  	_ =	shalt  }
0x74: {  	_ =	shalt  }
0x75: {  	_ =	shalt  }
0x76: {  	_ =	shalt  }
0x77: {  	_ =	shalt  }
0x78: {  	_ =	shalt  }
0x79: {  	_ =	shalt  }
0x7a: {  	_ =	shalt  }
0x7b: {  	_ =	shalt  }
0x7c: {  	_ =	shalt  }
0x7d: {  	_ =	shalt  }
0x7e: {  	_ =	shalt  }
0x7f: {  	_ =	shalt  }
0x80: {  	_ =	shalt  }
0x81: {  	_ =	shalt  }
0x82: {  	_ =	shalt  }
0x83: {  	_ =	shalt  }
0x84: {  	_ =	shalt  }
0x85: {  	_ =	shalt  }
0x86: {  	_ =	shalt  }
0x87: {  	_ =	shalt  }
.Lfunc_end0:
.L_simem_size_0:
called_computation_lowered:
.L_overlay_start_0:
0x88: {  	s2 =	sld [smem:$0x3FD9]  }
0x89: {  	s3 =	sld [smem:$0x3FFE];
	_ =	sdelay $0x1  }
0x8a: {  	s1 =	srdreg.scid  }
0x8b: {  	s0 =	sand.u32 $0x1, s1  }
0x8c: {  	s16 =	sshll.u32 s0, $0xA;
	s2 =	sadd.s32 s3, s2  }
0x8d: {  	s2 =	sadd.s32 s2, s16  }
0x8e: {  	[smem:$0x3FBD] =	sst s2  }
0x8f: {  	_ = 	snop  }
0x90: {  	(tm) =	ssettm $0x1  }
0x91: {  	s17 =	sld [smem:$0x3FFB];
	_ =	sdelay $0x3  }
0x92: {  	_ =	strace s17  }
0x93: {  	s2 =	sld [smem:$0x3FFC];
	_ =	sdelay $0x3  }
0x94: {  	_ =	strace s2  }
0x95: {  	s2 =	sld [smem:$0x3FFD];
	_ =	sdelay $0x3  }
0x96: {  	_ =	strace s2  }
0x97: {  	_ =	strace $0x8FFFFFFF  }
0x98: {  	s18 =	sld [smem:$0x3FDB];
	_ =	sdelay $0x1  }
0x99: {  	s19 =	simm.s32 $_scs_section_size  }
0x9a: {  	s4 =	simm.s32 $_size__tile_overlayer_lowered;
	s5 =	simm.s32 $_tile_overlayer_lowered  }
0x9b: {  	s22 =	simm.s32 $0x1BFF;
	s21 =	sshll.u32 s5, $0x1;
	s2 =	sadd.s32 s19, s18  }
0x9c: {  	s6 =	simm.s32 $0x0;
	s20 =	sshll.u32 s4, $0x1;
	s4 =	sadd.s32 s21, s2  }
0x9d: {  	[timem:s6], [sflag:s22] =	dma.local [hbm:s4], s20  }
0x9e: {  	_ =	swait.ge [sflag:s22], s20  }
0x9f: {  	s3 =	ssub.s32 $0x0, s20;
	[sflag:s22] =	ssyncset.done $0x0  }
0xa0: {  	[sflag:s22] =	ssyncadd.s32 s3;
	_ =	sdelay $0x1  }
0xa1: {  	s23 =	simm.s32 $0x1B8B  }
0xa2: {  	_ =	swait.ge [sflag:s23], $0x1  }
0xa3: {  	[sflag:s23] =	ssyncset.done $0x0  }
0xa4: {  	s25 =	simm.s32 $0x1B8E;
	s24 =	sld [smem:$0x3FFE];
	[sflag:s23] =	ssyncadd.s32 $0xFFFFFFFF  }
0xa5: {  	s26 =	simm.s32 $execute0_lowered;
	[smem:$0x3FD2] =	sst s25  }
0xa6: {  	s4 =	sshll.u32 s26, $0x1;
	_ =	strace $0x80000046;
	[dreg:$0x1] =	wrdreg $0xFFFFFFFF  }
0xa7: {  	s28 =	simm.s32 $_size_execute0_lowered;
	s2 =	sadd.s32 s2, s4;
	[dreg:$0x0] =	wrdreg $0x0  }
0xa8: {  	s4 =	sshll.u32 s28, $0x1;
	[dreg:$0x2] =	wrdreg s2  }
0xa9: {  	[dreg:$0x3] =	wrdreg s4  }
0xaa: {  	[dreg:$0x4] =	wrdreg $0xC0  }
0xab: {  	_ =	task [dreg:s6], $0x5FFFF  }
0xac: {  	[dreg:$0x1] =	wrdreg $0xFFFFFFFF  }
0xad: {  	[dreg:$0x0] =	wrdreg $0x60  }
0xae: {  	[dreg:$0x2] =	wrdreg s24  }
0xaf: {  	[dreg:$0x3] =	wrdreg $0x28800  }
0xb0: {  	[dreg:$0x4] =	wrdreg $0x9  }
0xb1: {  	_ =	task.clear_ibuf [dreg:s6], $0x5FFFF;
	_ =	strace $0x90000046  }
0xb2: {  	s29 =	simm.s32 $0x9;
	_ =	strace $0x80000048  }
0xb3: {  	_ =	swait.ge [sflag:s29], $0x1  }
0xb4: {  	[sflag:s29] =	ssyncadd.s32 $0xFFFFFFFF  }
0xb5: {  	_ =	strace $0x90000048  }
0xb6: {  	_ =	sfence  }
0xb7: {  	s30 =	sld [smem:$0x0];
	_ =	sdelay $0x2  }
0xb8: {  	s31 =	sshll.u32 s1, $0xD;
	s1 =	sshrl.u32 s1, $0x2  }
0xb9: {  	s3 =	sand.u32 $0x4000, s31;
	s1 =	sadd.s32 s1, s30  }
0xba: {  	s0 =	sor.u32 s3, s0;
	s1 =	sshll.u32 s1, $0x11  }
0xbb: {  	s0 =	sor.u32 s1, s0  }
0xbc: {  	s0 =	sadd.s32 $0x8F2B, s0  }
0xbd: {  	[sflag:s0] =	ssyncadd.remote.s32 $0x1  }
0xbe: {  	_ =	sfence.sel $0xFFFF  }
0xbf: {  	[dreg:$0x0] =	wrdreg $0xFFFFFFFF;
	(pc) =	sbr.abs _section_cstart, $3  }
0xc0: {  	[dreg:$0x1] =	wrdreg $0xFFFFFFFF  }
0xc1: {  	_ =	task.clear_ibuf [dreg:s6], $0x2FFFF;
	_ =	strace $0x9FFFFFFF  }
0xc2: {  	(tm) =	ssettm $0x7FFFFFFF  }
0xc3: {  	_ =	shalt  }
tec
execute0_lowered:
.L_overlay_start_1:
0x0: {  	(tag) =	ssettag $0x1  }
0x1: {  	s0 =	srdreg.scid;
	s5 =	rddreg [dreg:$0x0]  }
0x2: {  	s2 =	rddreg [dreg:$0x1];
	s3 =	simm.s32 $0x0;
	s12 =	simm.s32 $0x2800  }
0x3: {  	s13 =	simm.s32 $0x0;
	s4 =	sand.u32 $0x1, s0;
	s0 =	stileid.u32  }
0x4: {  	[smem:$0x7FF] =	sst s3;
	s1 =	sshll.u32 s4, $0x4;
	s7 =	smul.u32 $0x280, s0  }
0x5: {  	s8 =	smul.u32 $0x2800, s4;
	s4 =	ssub.s32 $0x2, s4;
	s1 =	sor.u32 s0, s1  }
0x6: {  	s31 =	sshll.u32 s0, $0x6;
	s10 =	sshrl.u32 s4, $0x1;
	s6 =	smul.u32 $0x500, s1  }
0x7: {  	s1 =	rddreg [dreg:$0x2];
	_ =	strace $0x80000047;
	s8 =	sadd.s32 s7, s8  }
0x8: {  	s9 =	sshrl.u32 s7, $0x3;
	s10 =	ssub.s32 s4, s10;
	s11 =	sadd.s32 s7, s2  }
0x9: {  	s8 =	sshrl.u32 s8, $0x3;
	s9 =	sadd.s32 s9, s5;
	s6 =	sadd.s32 s6, s5  }
0xa: {  	s8 =	sadd.s32 s8, s5;
	s4 =	sadd.s32 $0x16A00, s9;
	s5 =	sor.u32 $0x1C01, s31  }
0xb: {  	s9 =	sshrl.u32 s11, $0x3;
	s11 =	simm.s32 $0x80;
	s6 =	sadd.s32 $0x2A00, s6  }
0xc: {  	v0 =	vimm.f32 $1.000000000e+00;
	s7 =	sadd.s32 $0x17000, s8;
	s8 =	smax.u32 s10, $0x1;
	s10 =	simm.s32 $0x1  }
.LBB2_1:
0xd: {  	[spmem:s9], [sflag:s5] =	dma.local [hbm:s4], $0x50  }
0xe: {  	_ =	swait.ge [sflag:s10], $0x50  }
0xf: {  	[sflag:s10] =	ssyncset.done $0x0  }
0x10: {  	[sflag:s10] =	ssyncadd.s32 $0xFFFFFFB0  }
0x11: {  	[tilespmem:s3], [sflag:$0x1] =	stream.linear.gather [hbm4b:s6+s3], $0x2800, $0x38;
	[tilespmem:$0x2B00] =	vst v63  }
0x12: {  	_ =	swait.ge [sflag:s10], $0x2800  }
0x13: {  	[sflag:s10] =	ssyncset.done $0x0  }
0x14: {  	[sflag:s10] =	ssyncadd.s32 $0xFFFFD800  }
0x15: {  	[tilespmem:$0x2800] =	vst v0  }
0x16: {  	[tilespmem:$0x2810] =	vst v0  }
0x17: {  	[tilespmem:$0x2820] =	vst v0  }
0x18: {  	[tilespmem:$0x2830] =	vst v0  }
0x19: {  	[tilespmem:$0x2840] =	vst v0  }
0x1a: {  	[tilespmem:$0x2850] =	vst v0  }
0x1b: {  	[tilespmem:$0x2860] =	vst v0  }
0x1c: {  	[tilespmem:$0x2870] =	vst v0  }
0x1d: {  	s14 =	simm.s32 $0x0;
	[bflag:$0x0] =	sbarrier.arrive $0xFFFF  }
0x1e: {  	[spmem:s2] =	stream.indirect.scatter.add.f32 [tilespmem:s12], [sflag:$0x1], $0x1, s14, s11, $0xb8;
	[tilespmem:$0x2B00] =	vst v63  }
0x1f: {  	_ =	swait.ge [sflag:s10], $0x80  }
0x20: {  	s14 =	simm.s32 $0x200;
	[sflag:s10] =	ssyncset.done $0x0  }
.LBB2_2:
0x21: {  	s15 =	sshra.s32 s14, $0x2;
	[sflag:s10] =	ssyncadd.s32 $0xFFFFFF80;
	p0 =	sne.s32 s14, $0x9E00  }
0x22: {  	[spmem:s2] =	stream.indirect.scatter.add.f32 [tilespmem:s12], [sflag:$0x1], $0x1, s15, s11, $0xb8;
	[tilespmem:$0x2B00] =	vst v63  }
.Ltmp0:
0x23: {  	_ = 	snop;
	(pc) =	sbr.rel @p0 .LBB2_2-.Ltmp0, $4  }
0x24: {  	_ = 	snop  }
0x25: {  	s14 =	sadd.s32 $0x200, s14  }
0x26: {  	_ =	swait.ge [sflag:s10], $0x80  }
0x27: {  	[sflag:s10] =	ssyncset.done $0x0  }
0x28: {  	s13 =	sadd.s32 $0x1, s13  }
0x29: {  	[sflag:s10] =	ssyncadd.s32 $0xFFFFFF80;
	p0 =	sne.s32 s13, s8  }
.Ltmp1:
0x2a: {  	[bflag:$0x0] =	sbarrier.arrive $0xFFFF;
	(pc) =	sbr.rel @p0 .LBB2_1-.Ltmp1, $4  }
0x2b: {  	[hbm:s7], [sflag:s5] =	dma.local [spmem:s9], $0x50  }
0x2c: {  	_ =	swait.ge [sflag:s10], $0x50  }
0x2d: {  	[sflag:s10] =	ssyncset.done $0x0  }
0x2e: {  	[sflag:s10] =	ssyncadd.s32 $0xFFFFFFB0  }
0x2f: {  	_ =	sfence.sel $0x180000  }
0x30: {  	[bflag:$0x0] =	sbarrier.arrive $0xFFFF  }
0x31: {  	p0 =	sne.s32 s0, $0x0;
	_ =	strace $0x90000047  }
0x32: {  	s0 =	sadd.s32 @!p0 $0x100000, s1;
	[bflag:$0x2] =	sbarrier.arrive $0xFFFF  }
0x33: {  	[sflag:s0] =	ssyncadd.tile.s32 @!p0 $0x1;
	_ =	shalt  }
.Lfunc_end2:
_tile_overlayer_lowered:
.L_overlay_start_2:
0x34: {  	(tag) =	ssettag $0x2  }
0x35: {  	s0 =	rddreg [dreg:$0x0];
	s2 =	stileid.u32  }
0x36: {  	s1 =	rddreg [dreg:$0x1];
	p0 =	sne.s32 s2, $0x0  }
0x37: {  	s3 =	rddreg [dreg:$0x2];
	[bflag:$0x3] =	sbarrier.arrive $0xFFFF;
	s2 =	simm.s32 @!p0 $0x1C01  }
0x38: {  	[timem:s3], [sflag:s2] =	dma.local @!p0 [hbm:s0], s1  }
0x39: {  	s0 =	simm.s32 @!p0 $0x1  }
0x3a: {  	_ =	swait.ge @!p0 [sflag:s0], s1  }
0x3b: {  	s1 =	ssub.s32 @!p0 $0x0, s1;
	[sflag:s0] =	ssyncset.done @!p0 $0x0  }
0x3c: {  	[sflag:s0] =	ssyncadd.s32 @!p0 s1  }
0x3d: {  	[bflag:$0x3] =	sbarrier.arrive $0xFFFF  }
0x3e: {  	_ =	shalt  }

// kernel: kernel.15.cloned.1.call-start
scs
__scs_entry_jumppad:
0x0: {  	(pc) =	sbr.rel $0x88, $3  }
0x1: {  	(tag) =	ssettag $0x0;
	lr =	simm.s32 $0x1  }
0x2: {  	[smem:$0x3F96] =	sst lr;
	_ =	strace $0xD0000000  }
0x3: {  	_ = 	snop  }
0x4: {  	_ = 	snop  }
0x5: {  	_ = 	snop  }
0x6: {  	_ = 	snop  }
0x7: {  	_ = 	snop  }
__scs_overlays_trampoline_lowered:
0x8: {  	[smem:$0x3FA5] =	sst s0  }
0x9: {  	[smem:$0x3FA6] =	sst s1  }
0xa: {  	[smem:$0x3FA7] =	sst s2  }
0xb: {  	[smem:$0x3FA8] =	sst s3  }
0xc: {  	[smem:$0x3FA9] =	sst s4  }
0xd: {  	[smem:$0x3FAA] =	sst s5  }
0xe: {  	[smem:$0x3FAB] =	sst s6  }
0xf: {  	[smem:$0x3FAC] =	sst s7  }
0x10: {  	[smem:$0x3FAD] =	sst s8  }
0x11: {  	[smem:$0x3FAE] =	sst s9;
	s0 =	simm.s32 @!p0 $0x0  }
0x12: {  	s1 =	sld [smem:$0x3F94];
	s0 =	simm.s32 @p0 $0x1  }
0x13: {  	[smem:$0x3FAF] =	sst s0;
	s0 =	simm.s32 @!p1 $0x0  }
0x14: {  	s2 =	sld [smem:$0x3F93];
	s0 =	simm.s32 @p1 $0x1  }
0x15: {  	[smem:$0x3FB0] =	sst s0;
	s0 =	simm.s32 @!p2 $0x0  }
0x16: {  	s3 =	sld [smem:$0x3FDB];
	s0 =	simm.s32 @p2 $0x1  }
0x17: {  	s4 =	simm.s32 $0x1BF5;
	[smem:$0x3FB2] =	sst s0  }
0x18: {  	s0 =	sld [smem:$0x3F95];
	_ =	swait.ge [sflag:s4], $0x0  }
0x19: {  	s7 =	sld [smem:$0x3F96]  }
0x1a: {  	s8 =	sadd.s32 $0xFFFFE003, lr  }
0x1b: {  	s9 =	sadd.s32 $0xFFFFFEF7, lr;
	s5 =	simm.s32 $0xFFFFFFFF;
	p2 =	slt.u32 s8, $0xFFFFF086  }
0x1c: {  	p1 =	slt.u32 s9, $0xF7A;
	s5 =	simm.s32 @!p2 $0x0  }
0x1d: {  	s5 =	simm.s32 @p1 $0x1;
	p0 =	seq.s32 s7, s2  }
0x1e: {  	s7 =	smul.u32 @!p0 $0xF7A, s2;
	p2 =	seq.s32 @!p0 s5, $0x0  }
0x1f: {  	s9 =	smul.u32 $0xF7A, s1;
	s8 =	simm.s32 @!p0 $0x1BF5;
	p2 =	por !p2, p0  }
0x20: {  	[sflag:s8] =	ssyncset.s32 @!p0 $0xFFFFF086;
	s6 =	sadd.s32 @!p0 s3, s7;
	s7 =	simm.s32 @!p0 $0x108  }
0x21: {  	s3 =	sadd.s32 s3, s9;
	s6 =	sadd.s32 @!p0 $0x88, s6;
	s7 =	simm.s32 @p2 $0x1082  }
0x22: {  	[simem:s7], [sflag:s8] =	dma.local @!p0 [hbm:s6], $0xF7A  }
0x23: {  	s9 =	sor.u32 $0xD0000000, s2;
	s6 =	simm.s32 $0x108;
	_ =	swait.ge @!p0 [sflag:s8], $0x0  }
0x24: {  	s3 =	sadd.s32 $0x88, s3;
	s6 =	simm.s32 @!p1 $0x1082;
	[sflag:s4] =	ssyncset.s32 $0xFFFFF086  }
0x25: {  	[simem:s6], [sflag:s4] =	dma.local [hbm:s3], $0xF7A  }
0x26: {  	[smem:$0x3F96] =	sst s1;
	(tag) =	ssettag s2;
	_ =	strace s9  }
0x27: {  	s1 =	sld [smem:$0x3FA6]  }
0x28: {  	s2 =	sld [smem:$0x3FA7]  }
0x29: {  	s4 =	sld [smem:$0x3FA9]  }
0x2a: {  	p0 =	seq.s32 s5, $0x0;
	s5 =	sld [smem:$0x3FAA]  }
0x2b: {  	s6 =	sld [smem:$0x3FAB]  }
0x2c: {  	s7 =	sld [smem:$0x3FAC]  }
0x2d: {  	s3 =	simm.s32 $0x108;
	s8 =	sld [smem:$0x3FAD]  }
0x2e: {  	s3 =	simm.s32 @!p0 $0x1082;
	s9 =	sld [smem:$0x3FAE]  }
0x2f: {  	lr =	sadd.s32 s0, s3;
	s0 =	sld [smem:$0x3FA5]  }
0x30: {  	s3 =	sld [smem:$0x3FA8]  }
0x31: {  	[smem:$0x3FB1] =	sst s10  }
0x32: {  	s10 =	sld [smem:$0x3FAF];
	_ =	sdelay $0x3  }
0x33: {  	p0 =	seq.s32 s10, $0x1;
	s10 =	sld [smem:$0x3FB1];
	_ =	sdelay $0x3  }
0x34: {  	[smem:$0x3FB1] =	sst s10  }
0x35: {  	s10 =	sld [smem:$0x3FB0];
	_ =	sdelay $0x3  }
0x36: {  	p1 =	seq.s32 s10, $0x1;
	s10 =	sld [smem:$0x3FB1];
	_ =	sdelay $0x3  }
0x37: {  	[smem:$0x3FB1] =	sst s10  }
0x38: {  	s10 =	sld [smem:$0x3FB2]  }
0x39: {  	_ = 	snop;
	(pc) =	sbr.ind lr, $3  }
0x3a: {  	_ = 	snop  }
0x3b: {  	_ = 	snop  }
0x3c: {  	p2 =	seq.s32 s10, $0x1;
	s10 =	sld [smem:$0x3FB1]  }
0x3d: {  	_ =	shalt  }
0x3e: {  	_ =	shalt  }
0x3f: {  	_ =	shalt  }
0x40: {  	_ =	shalt  }
0x41: {  	_ =	shalt  }
0x42: {  	_ =	shalt  }
0x43: {  	_ =	shalt  }
0x44: {  	_ =	shalt  }
0x45: {  	_ =	shalt  }
0x46: {  	_ =	shalt  }
0x47: {  	_ =	shalt  }
0x48: {  	_ =	shalt  }
0x49: {  	_ =	shalt  }
0x4a: {  	_ =	shalt  }
0x4b: {  	_ =	shalt  }
0x4c: {  	_ =	shalt  }
0x4d: {  	_ =	shalt  }
0x4e: {  	_ =	shalt  }
0x4f: {  	_ =	shalt  }
0x50: {  	_ =	shalt  }
0x51: {  	_ =	shalt  }
0x52: {  	_ =	shalt  }
0x53: {  	_ =	shalt  }
0x54: {  	_ =	shalt  }
0x55: {  	_ =	shalt  }
0x56: {  	_ =	shalt  }
0x57: {  	_ =	shalt  }
0x58: {  	_ =	shalt  }
0x59: {  	_ =	shalt  }
0x5a: {  	_ =	shalt  }
0x5b: {  	_ =	shalt  }
0x5c: {  	_ =	shalt  }
0x5d: {  	_ =	shalt  }
0x5e: {  	_ =	shalt  }
0x5f: {  	_ =	shalt  }
0x60: {  	_ =	shalt  }
0x61: {  	_ =	shalt  }
0x62: {  	_ =	shalt  }
0x63: {  	_ =	shalt  }
0x64: {  	_ =	shalt  }
0x65: {  	_ =	shalt  }
0x66: {  	_ =	shalt  }
0x67: {  	_ =	shalt  }
0x68: {  	_ =	shalt  }
0x69: {  	_ =	shalt  }
0x6a: {  	_ =	shalt  }
0x6b: {  	_ =	shalt  }
0x6c: {  	_ =	shalt  }
0x6d: {  	_ =	shalt  }
0x6e: {  	_ =	shalt  }
0x6f: {  	_ =	shalt  }
0x70: {  	_ =	shalt  }
0x71: {  	_ =	shalt  }
0x72: {  	_ =	shalt  }
0x73: {  	_ =	shalt  }
0x74: {  	_ =	shalt  }
0x75: {  	_ =	shalt  }
0x76: {  	_ =	shalt  }
0x77: {  	_ =	shalt  }
0x78: {  	_ =	shalt  }
0x79: {  	_ =	shalt  }
0x7a: {  	_ =	shalt  }
0x7b: {  	_ =	shalt  }
0x7c: {  	_ =	shalt  }
0x7d: {  	_ =	shalt  }
0x7e: {  	_ =	shalt  }
0x7f: {  	_ =	shalt  }
0x80: {  	_ =	shalt  }
0x81: {  	_ =	shalt  }
0x82: {  	_ =	shalt  }
0x83: {  	_ =	shalt  }
0x84: {  	_ =	shalt  }
0x85: {  	_ =	shalt  }
0x86: {  	_ =	shalt  }
0x87: {  	_ =	shalt  }
.Lfunc_end0:
.L_simem_size_0:
called_computation.1_lowered:
.L_overlay_start_0:
0x88: {  	s2 =	sld [smem:$0x3FD9]  }
0x89: {  	s3 =	sld [smem:$0x3FFE];
	_ =	sdelay $0x1  }
0x8a: {  	s1 =	srdreg.scid  }
0x8b: {  	s0 =	sand.u32 $0x1, s1  }
0x8c: {  	s16 =	sshll.u32 s0, $0xA;
	s2 =	sadd.s32 s3, s2  }
0x8d: {  	s2 =	sadd.s32 s2, s16  }
0x8e: {  	[smem:$0x3FBD] =	sst s2  }
0x8f: {  	_ = 	snop  }
0x90: {  	(tm) =	ssettm $0x1  }
0x91: {  	s17 =	sld [smem:$0x3FFB];
	_ =	sdelay $0x3  }
0x92: {  	_ =	strace s17  }
0x93: {  	s2 =	sld [smem:$0x3FFC];
	_ =	sdelay $0x3  }
0x94: {  	_ =	strace s2  }
0x95: {  	s2 =	sld [smem:$0x3FFD];
	_ =	sdelay $0x3  }
0x96: {  	_ =	strace s2  }
0x97: {  	_ =	strace $0x8FFFFFFF  }
0x98: {  	s18 =	sld [smem:$0x3FDB];
	_ =	sdelay $0x1  }
0x99: {  	s19 =	simm.s32 $_scs_section_size  }
0x9a: {  	s4 =	simm.s32 $_size__tile_overlayer_lowered;
	s5 =	simm.s32 $_tile_overlayer_lowered  }
0x9b: {  	s22 =	simm.s32 $0x1BFF;
	s21 =	sshll.u32 s5, $0x1;
	s2 =	sadd.s32 s19, s18  }
0x9c: {  	s6 =	simm.s32 $0x0;
	s20 =	sshll.u32 s4, $0x1;
	s4 =	sadd.s32 s21, s2  }
0x9d: {  	[timem:s6], [sflag:s22] =	dma.local [hbm:s4], s20  }
0x9e: {  	_ =	swait.ge [sflag:s22], s20  }
0x9f: {  	s3 =	ssub.s32 $0x0, s20;
	[sflag:s22] =	ssyncset.done $0x0  }
0xa0: {  	[sflag:s22] =	ssyncadd.s32 s3;
	_ =	sdelay $0x1  }
0xa1: {  	s23 =	simm.s32 $0x1B8B  }
0xa2: {  	_ =	swait.ge [sflag:s23], $0x1  }
0xa3: {  	[sflag:s23] =	ssyncset.done $0x0  }
0xa4: {  	s25 =	simm.s32 $0x1B8E;
	s24 =	sld [smem:$0x3FFE];
	[sflag:s23] =	ssyncadd.s32 $0xFFFFFFFF  }
0xa5: {  	s26 =	simm.s32 $execute0_lowered;
	[smem:$0x3FD2] =	sst s25  }
0xa6: {  	s4 =	sshll.u32 s26, $0x1;
	_ =	strace $0x80000049;
	[dreg:$0x1] =	wrdreg $0xFFFFFFFF  }
0xa7: {  	s28 =	simm.s32 $_size_execute0_lowered;
	s2 =	sadd.s32 s2, s4;
	[dreg:$0x0] =	wrdreg $0x0  }
0xa8: {  	s4 =	sshll.u32 s28, $0x1;
	[dreg:$0x2] =	wrdreg s2  }
0xa9: {  	[dreg:$0x3] =	wrdreg s4  }
0xaa: {  	[dreg:$0x4] =	wrdreg $0xC0  }
0xab: {  	_ =	task [dreg:s6], $0x5FFFF  }
0xac: {  	[dreg:$0x1] =	wrdreg $0xFFFFFFFF  }
0xad: {  	[dreg:$0x0] =	wrdreg $0x60  }
0xae: {  	[dreg:$0x2] =	wrdreg s24  }
0xaf: {  	[dreg:$0x3] =	wrdreg $0x60000  }
0xb0: {  	[dreg:$0x4] =	wrdreg $0x9  }
0xb1: {  	_ =	task.clear_ibuf [dreg:s6], $0x5FFFF;
	_ =	strace $0x90000049  }
0xb2: {  	s29 =	simm.s32 $0x9;
	_ =	strace $0x8000004B  }
0xb3: {  	_ =	swait.ge [sflag:s29], $0x1  }
0xb4: {  	[sflag:s29] =	ssyncadd.s32 $0xFFFFFFFF  }
0xb5: {  	_ =	strace $0x9000004B  }
0xb6: {  	_ =	sfence  }
0xb7: {  	s30 =	sld [smem:$0x0];
	_ =	sdelay $0x2  }
0xb8: {  	s31 =	sshll.u32 s1, $0xD;
	s1 =	sshrl.u32 s1, $0x2  }
0xb9: {  	s3 =	sand.u32 $0x4000, s31;
	s1 =	sadd.s32 s1, s30  }
0xba: {  	s0 =	sor.u32 s3, s0;
	s1 =	sshll.u32 s1, $0x11  }
0xbb: {  	s0 =	sor.u32 s1, s0  }
0xbc: {  	s0 =	sadd.s32 $0x8F2B, s0  }
0xbd: {  	[sflag:s0] =	ssyncadd.remote.s32 $0x1  }
0xbe: {  	_ =	sfence.sel $0xFFFF  }
0xbf: {  	[dreg:$0x0] =	wrdreg $0xFFFFFFFF;
	(pc) =	sbr.abs _section_cstart, $3  }
0xc0: {  	[dreg:$0x1] =	wrdreg $0xFFFFFFFF  }
0xc1: {  	_ =	task.clear_ibuf [dreg:s6], $0x2FFFF;
	_ =	strace $0x9FFFFFFF  }
0xc2: {  	(tm) =	ssettm $0x7FFFFFFF  }
0xc3: {  	_ =	shalt  }
tec
execute0_lowered:
.L_overlay_start_1:
0x0: {  	(tag) =	ssettag $0x1  }
0x1: {  	s6 =	rddreg [dreg:$0x0]  }
0x2: {  	s0 =	srdreg.scid;
	s2 =	rddreg [dreg:$0x1]  }
0x3: {  	s3 =	simm.s32 $0x0;
	s14 =	simm.s32 $0x80;
	s15 =	simm.s32 $0x5000  }
0x4: {  	s16 =	simm.s32 $0x1;
	s5 =	sand.u32 $0x1, s0;
	s0 =	stileid.u32  }
0x5: {  	s17 =	simm.s32 $0x0;
	[smem:$0x7FF] =	sst s3;
	s8 =	smul.u32 $0x5000, s0  }
0x6: {  	s4 =	sadd.s32 $0x16A00, s6;
	s1 =	sshll.u32 s5, $0x4;
	s9 =	smul.u32 $0x50000, s5  }
0x7: {  	s5 =	ssub.s32 $0x2, s5;
	s31 =	sshll.u32 s0, $0x6;
	s1 =	sor.u32 s0, s1  }
0x8: {  	s11 =	sshrl.u32 s5, $0x1;
	s7 =	smul.u32 $0x500, s1;
	s1 =	rddreg [dreg:$0x2]  }
0x9: {  	_ =	strace $0x8000004A;
	s29 =	sadd.s32 s8, s9;
	s30 =	sshrl.u32 s8, $0x3  }
0xa: {  	s11 =	ssub.s32 s5, s11;
	s13 =	sadd.s32 s8, s2;
	s9 =	sadd.s32 s30, s6  }
0xb: {  	s10 =	sadd.s32 s7, s6;
	s7 =	sshrl.u32 s29, $0x3;
	s5 =	sadd.s32 $0x20800, s9  }
0xc: {  	s12 =	sadd.s32 s7, s6;
	s6 =	sor.u32 $0x1C02, s31;
	s7 =	sadd.s32 $0xCA00, s10  }
0xd: {  	s8 =	sadd.s32 $0x2A00, s10;
	s10 =	smax.u32 s11, $0x1;
	s11 =	sshrl.u32 s13, $0x3  }
0xe: {  	s13 =	simm.s32 $0x2800;
	s9 =	sadd.s32 $0x2A800, s12;
	s12 =	simm.s32 $0x2  }
.LBB2_1:
0xf: {  	[spmem:s11], [sflag:s6] =	dma.local [hbm:s5], $0xA00  }
0x10: {  	_ =	swait.ge [sflag:s12], $0xA00  }
0x11: {  	[sflag:s12] =	ssyncset.done $0x0  }
0x12: {  	[sflag:s12] =	ssyncadd.s32 $0xFFFFF600  }
0x13: {  	[tilespmem:s3], [sflag:$0x2] =	stream.linear.gather [hbm4b:s7+s3], $0x2800, $0x38;
	[tilespmem:$0xB000] =	vst v63  }
0x14: {  	_ =	swait.ge [sflag:s12], $0x2800  }
0x15: {  	[sflag:s12] =	ssyncset.done $0x0  }
0x16: {  	[sflag:s12] =	ssyncadd.s32 $0xFFFFD800  }
0x17: {  	[tilespmem:s13], [sflag:$0x2] =	stream.linear.gather [hbm4b:s8+s3], $0x2800, $0x38;
	[tilespmem:$0xB000] =	vst v63  }
0x18: {  	_ =	swait.ge [sflag:s12], $0x2800  }
0x19: {  	[sflag:s12] =	ssyncset.done $0x0  }
0x1a: {  	[sflag:s12] =	ssyncadd.s32 $0xFFFFD800  }
0x1b: {  	s18 =	simm.s32 $0x0;
	[bflag:$0x0] =	sbarrier.arrive $0xFFFF  }
0x1c: {  	[tilespmem:s15], [sflag:$0x1] =	stream.indirect.gather [hbm4b:s4+s14], $0x20, s18, s14, $0xb8;
	[tilespmem:$0xB000] =	vst v63  }
0x1d: {  	_ =	swait.ge [sflag:s16], $0x1000  }
0x1e: {  	[sflag:s16] =	ssyncset.done $0x0  }
0x1f: {  	s31 =	simm.s32 $0x2800;
	[sflag:s16] =	ssyncadd.s32 $0xFFFFF000  }
0x20: {  	[spmem:s2] =	stream.indirect.scatter.add.f32 [tilespmem:s15], [sflag:$0x2], $0x20, s31, s14, $0xb8;
	[tilespmem:$0xB000] =	vst v63  }
0x21: {  	_ =	swait.ge [sflag:s12], $0x1000  }
0x22: {  	s19 =	simm.s32 $0x400;
	s18 =	simm.s32 $0x200;
	[sflag:s12] =	ssyncset.done $0x0  }
.LBB2_2:
0x23: {  	s20 =	sshra.s32 s18, $0x2  }
0x24: {  	[sflag:s12] =	ssyncadd.s32 $0xFFFFF000;
	s18 =	smov.u32 s19;
	s21 =	sadd.s32 $0x200, s19  }
0x25: {  	[tilespmem:s15], [sflag:$0x1] =	stream.indirect.gather [hbm4b:s4+s14], $0x20, s20, s14, $0xb8;
	[tilespmem:$0xB000] =	vst v63  }
0x26: {  	p0 =	sne.s32 s19, $0x9E00;
	_ =	swait.ge [sflag:s16], $0x1000  }
.Ltmp0:
0x27: {  	[sflag:s16] =	ssyncset.done $0x0;
	(pc) =	sbr.rel @p0 .LBB2_2-.Ltmp0, $4  }
0x28: {  	s19 =	sadd.s32 $0x2800, s20;
	[sflag:s16] =	ssyncadd.s32 $0xFFFFF000  }
0x29: {  	[spmem:s2] =	stream.indirect.scatter.add.f32 [tilespmem:s15], [sflag:$0x2], $0x20, s19, s14, $0xb8;
	[tilespmem:$0xB000] =	vst v63  }
0x2a: {  	_ =	swait.ge [sflag:s12], $0x1000  }
0x2b: {  	s19 =	smov.u32 s21;
	[sflag:s12] =	ssyncset.done $0x0  }
0x2c: {  	s18 =	sshra.s32 s18, $0x2;
	[sflag:s12] =	ssyncadd.s32 $0xFFFFF000  }
0x2d: {  	[tilespmem:s15], [sflag:$0x1] =	stream.indirect.gather [hbm4b:s4+s14], $0x20, s18, s14, $0xb8;
	[tilespmem:$0xB000] =	vst v63  }
0x2e: {  	_ =	swait.ge [sflag:s16], $0x1000  }
0x2f: {  	[sflag:s16] =	ssyncset.done $0x0  }
0x30: {  	s18 =	sadd.s32 $0x2800, s18;
	[sflag:s16] =	ssyncadd.s32 $0xFFFFF000  }
0x31: {  	[spmem:s2] =	stream.indirect.scatter.add.f32 [tilespmem:s15], [sflag:$0x2], $0x20, s18, s14, $0xb8;
	[tilespmem:$0xB000] =	vst v63  }
0x32: {  	_ =	swait.ge [sflag:s12], $0x1000  }
0x33: {  	s17 =	sadd.s32 $0x1, s17;
	[sflag:s12] =	ssyncset.done $0x0  }
0x34: {  	p0 =	sne.s32 s17, s10;
	[sflag:s12] =	ssyncadd.s32 $0xFFFFF000  }
.Ltmp1:
0x35: {  	[bflag:$0x0] =	sbarrier.arrive $0xFFFF;
	(pc) =	sbr.rel @p0 .LBB2_1-.Ltmp1, $4  }
0x36: {  	[hbm:s9], [sflag:s6] =	dma.local [spmem:s11], $0xA00  }
0x37: {  	_ =	swait.ge [sflag:s12], $0xA00  }
0x38: {  	[sflag:s12] =	ssyncset.done $0x0  }
0x39: {  	[sflag:s12] =	ssyncadd.s32 $0xFFFFF600  }
0x3a: {  	_ =	sfence.sel $0x180000  }
0x3b: {  	[bflag:$0x0] =	sbarrier.arrive $0xFFFF  }
0x3c: {  	p0 =	sne.s32 s0, $0x0;
	_ =	strace $0x9000004A  }
0x3d: {  	s0 =	sadd.s32 @!p0 $0x100000, s1;
	[bflag:$0x2] =	sbarrier.arrive $0xFFFF  }
0x3e: {  	[sflag:s0] =	ssyncadd.tile.s32 @!p0 $0x1;
	_ =	shalt  }
.Lfunc_end2:
_tile_overlayer_lowered:
.L_overlay_start_2:
0x3f: {  	(tag) =	ssettag $0x2  }
0x40: {  	s0 =	rddreg [dreg:$0x0];
	s2 =	stileid.u32  }
0x41: {  	s1 =	rddreg [dreg:$0x1];
	p0 =	sne.s32 s2, $0x0  }
0x42: {  	s3 =	rddreg [dreg:$0x2];
	[bflag:$0x3] =	sbarrier.arrive $0xFFFF;
	s2 =	simm.s32 @!p0 $0x1C02  }
0x43: {  	[timem:s3], [sflag:s2] =	dma.local @!p0 [hbm:s0], s1  }
0x44: {  	s0 =	simm.s32 @!p0 $0x2  }
0x45: {  	_ =	swait.ge @!p0 [sflag:s0], s1  }
0x46: {  	s1 =	ssub.s32 @!p0 $0x0, s1;
	[sflag:s0] =	ssyncset.done @!p0 $0x0  }
0x47: {  	[sflag:s0] =	ssyncadd.s32 @!p0 s1  }
0x48: {  	[bflag:$0x3] =	sbarrier.arrive $0xFFFF  }
0x49: {  	_ =	shalt  }

// kernel: kernel.18.cloned.1.call-start
scs
__scs_entry_jumppad:
0x0: {  	(pc) =	sbr.rel $0x88, $3  }
0x1: {  	(tag) =	ssettag $0x0;
	lr =	simm.s32 $0x1  }
0x2: {  	[smem:$0x3F96] =	sst lr;
	_ =	strace $0xD0000000  }
0x3: {  	_ = 	snop  }
0x4: {  	_ = 	snop  }
0x5: {  	_ = 	snop  }
0x6: {  	_ = 	snop  }
0x7: {  	_ = 	snop  }
__scs_overlays_trampoline_lowered:
0x8: {  	[smem:$0x3FA5] =	sst s0  }
0x9: {  	[smem:$0x3FA6] =	sst s1  }
0xa: {  	[smem:$0x3FA7] =	sst s2  }
0xb: {  	[smem:$0x3FA8] =	sst s3  }
0xc: {  	[smem:$0x3FA9] =	sst s4  }
0xd: {  	[smem:$0x3FAA] =	sst s5  }
0xe: {  	[smem:$0x3FAB] =	sst s6  }
0xf: {  	[smem:$0x3FAC] =	sst s7  }
0x10: {  	[smem:$0x3FAD] =	sst s8  }
0x11: {  	[smem:$0x3FAE] =	sst s9;
	s0 =	simm.s32 @!p0 $0x0  }
0x12: {  	s1 =	sld [smem:$0x3F94];
	s0 =	simm.s32 @p0 $0x1  }
0x13: {  	[smem:$0x3FAF] =	sst s0;
	s0 =	simm.s32 @!p1 $0x0  }
0x14: {  	s2 =	sld [smem:$0x3F93];
	s0 =	simm.s32 @p1 $0x1  }
0x15: {  	[smem:$0x3FB0] =	sst s0;
	s0 =	simm.s32 @!p2 $0x0  }
0x16: {  	s3 =	sld [smem:$0x3FDB];
	s0 =	simm.s32 @p2 $0x1  }
0x17: {  	s4 =	simm.s32 $0x1BF5;
	[smem:$0x3FB2] =	sst s0  }
0x18: {  	s0 =	sld [smem:$0x3F95];
	_ =	swait.ge [sflag:s4], $0x0  }
0x19: {  	s7 =	sld [smem:$0x3F96]  }
0x1a: {  	s8 =	sadd.s32 $0xFFFFE003, lr  }
0x1b: {  	s9 =	sadd.s32 $0xFFFFFEF7, lr;
	s5 =	simm.s32 $0xFFFFFFFF;
	p2 =	slt.u32 s8, $0xFFFFF086  }
0x1c: {  	p1 =	slt.u32 s9, $0xF7A;
	s5 =	simm.s32 @!p2 $0x0  }
0x1d: {  	s5 =	simm.s32 @p1 $0x1;
	p0 =	seq.s32 s7, s2  }
0x1e: {  	s7 =	smul.u32 @!p0 $0xF7A, s2;
	p2 =	seq.s32 @!p0 s5, $0x0  }
0x1f: {  	s9 =	smul.u32 $0xF7A, s1;
	s8 =	simm.s32 @!p0 $0x1BF5;
	p2 =	por !p2, p0  }
0x20: {  	[sflag:s8] =	ssyncset.s32 @!p0 $0xFFFFF086;
	s6 =	sadd.s32 @!p0 s3, s7;
	s7 =	simm.s32 @!p0 $0x108  }
0x21: {  	s3 =	sadd.s32 s3, s9;
	s6 =	sadd.s32 @!p0 $0x88, s6;
	s7 =	simm.s32 @p2 $0x1082  }
0x22: {  	[simem:s7], [sflag:s8] =	dma.local @!p0 [hbm:s6], $0xF7A  }
0x23: {  	s9 =	sor.u32 $0xD0000000, s2;
	s6 =	simm.s32 $0x108;
	_ =	swait.ge @!p0 [sflag:s8], $0x0  }
0x24: {  	s3 =	sadd.s32 $0x88, s3;
	s6 =	simm.s32 @!p1 $0x1082;
	[sflag:s4] =	ssyncset.s32 $0xFFFFF086  }
0x25: {  	[simem:s6], [sflag:s4] =	dma.local [hbm:s3], $0xF7A  }
0x26: {  	[smem:$0x3F96] =	sst s1;
	(tag) =	ssettag s2;
	_ =	strace s9  }
0x27: {  	s1 =	sld [smem:$0x3FA6]  }
0x28: {  	s2 =	sld [smem:$0x3FA7]  }
0x29: {  	s4 =	sld [smem:$0x3FA9]  }
0x2a: {  	p0 =	seq.s32 s5, $0x0;
	s5 =	sld [smem:$0x3FAA]  }
0x2b: {  	s6 =	sld [smem:$0x3FAB]  }
0x2c: {  	s7 =	sld [smem:$0x3FAC]  }
0x2d: {  	s3 =	simm.s32 $0x108;
	s8 =	sld [smem:$0x3FAD]  }
0x2e: {  	s3 =	simm.s32 @!p0 $0x1082;
	s9 =	sld [smem:$0x3FAE]  }
0x2f: {  	lr =	sadd.s32 s0, s3;
	s0 =	sld [smem:$0x3FA5]  }
0x30: {  	s3 =	sld [smem:$0x3FA8]  }
0x31: {  	[smem:$0x3FB1] =	sst s10  }
0x32: {  	s10 =	sld [smem:$0x3FAF];
	_ =	sdelay $0x3  }
0x33: {  	p0 =	seq.s32 s10, $0x1;
	s10 =	sld [smem:$0x3FB1];
	_ =	sdelay $0x3  }
0x34: {  	[smem:$0x3FB1] =	sst s10  }
0x35: {  	s10 =	sld [smem:$0x3FB0];
	_ =	sdelay $0x3  }
0x36: {  	p1 =	seq.s32 s10, $0x1;
	s10 =	sld [smem:$0x3FB1];
	_ =	sdelay $0x3  }
0x37: {  	[smem:$0x3FB1] =	sst s10  }
0x38: {  	s10 =	sld [smem:$0x3FB2]  }
0x39: {  	_ = 	snop;
	(pc) =	sbr.ind lr, $3  }
0x3a: {  	_ = 	snop  }
0x3b: {  	_ = 	snop  }
0x3c: {  	p2 =	seq.s32 s10, $0x1;
	s10 =	sld [smem:$0x3FB1]  }
0x3d: {  	_ =	shalt  }
0x3e: {  	_ =	shalt  }
0x3f: {  	_ =	shalt  }
0x40: {  	_ =	shalt  }
0x41: {  	_ =	shalt  }
0x42: {  	_ =	shalt  }
0x43: {  	_ =	shalt  }
0x44: {  	_ =	shalt  }
0x45: {  	_ =	shalt  }
0x46: {  	_ =	shalt  }
0x47: {  	_ =	shalt  }
0x48: {  	_ =	shalt  }
0x49: {  	_ =	shalt  }
0x4a: {  	_ =	shalt  }
0x4b: {  	_ =	shalt  }
0x4c: {  	_ =	shalt  }
0x4d: {  	_ =	shalt  }
0x4e: {  	_ =	shalt  }
0x4f: {  	_ =	shalt  }
0x50: {  	_ =	shalt  }
0x51: {  	_ =	shalt  }
0x52: {  	_ =	shalt  }
0x53: {  	_ =	shalt  }
0x54: {  	_ =	shalt  }
0x55: {  	_ =	shalt  }
0x56: {  	_ =	shalt  }
0x57: {  	_ =	shalt  }
0x58: {  	_ =	shalt  }
0x59: {  	_ =	shalt  }
0x5a: {  	_ =	shalt  }
0x5b: {  	_ =	shalt  }
0x5c: {  	_ =	shalt  }
0x5d: {  	_ =	shalt  }
0x5e: {  	_ =	shalt  }
0x5f: {  	_ =	shalt  }
0x60: {  	_ =	shalt  }
0x61: {  	_ =	shalt  }
0x62: {  	_ =	shalt  }
0x63: {  	_ =	shalt  }
0x64: {  	_ =	shalt  }
0x65: {  	_ =	shalt  }
0x66: {  	_ =	shalt  }
0x67: {  	_ =	shalt  }
0x68: {  	_ =	shalt  }
0x69: {  	_ =	shalt  }
0x6a: {  	_ =	shalt  }
0x6b: {  	_ =	shalt  }
0x6c: {  	_ =	shalt  }
0x6d: {  	_ =	shalt  }
0x6e: {  	_ =	shalt  }
0x6f: {  	_ =	shalt  }
0x70: {  	_ =	shalt  }
0x71: {  	_ =	shalt  }
0x72: {  	_ =	shalt  }
0x73: {  	_ =	shalt  }
0x74: {  	_ =	shalt  }
0x75: {  	_ =	shalt  }
0x76: {  	_ =	shalt  }
0x77: {  	_ =	shalt  }
0x78: {  	_ =	shalt  }
0x79: {  	_ =	shalt  }
0x7a: {  	_ =	shalt  }
0x7b: {  	_ =	shalt  }
0x7c: {  	_ =	shalt  }
0x7d: {  	_ =	shalt  }
0x7e: {  	_ =	shalt  }
0x7f: {  	_ =	shalt  }
0x80: {  	_ =	shalt  }
0x81: {  	_ =	shalt  }
0x82: {  	_ =	shalt  }
0x83: {  	_ =	shalt  }
0x84: {  	_ =	shalt  }
0x85: {  	_ =	shalt  }
0x86: {  	_ =	shalt  }
0x87: {  	_ =	shalt  }
.Lfunc_end0:
.L_simem_size_0:
called_computation.2_lowered:
.L_overlay_start_0:
0x88: {  	s2 =	sld [smem:$0x3FD9]  }
0x89: {  	s3 =	sld [smem:$0x3FFE];
	_ =	sdelay $0x1  }
0x8a: {  	s1 =	srdreg.scid  }
0x8b: {  	s0 =	sand.u32 $0x1, s1  }
0x8c: {  	s16 =	sshll.u32 s0, $0xA;
	s2 =	sadd.s32 s3, s2  }
0x8d: {  	s2 =	sadd.s32 s2, s16  }
0x8e: {  	[smem:$0x3FBD] =	sst s2  }
0x8f: {  	_ = 	snop  }
0x90: {  	(tm) =	ssettm $0x1  }
0x91: {  	s17 =	sld [smem:$0x3FFB];
	_ =	sdelay $0x3  }
0x92: {  	_ =	strace s17  }
0x93: {  	s2 =	sld [smem:$0x3FFC];
	_ =	sdelay $0x3  }
0x94: {  	_ =	strace s2  }
0x95: {  	s2 =	sld [smem:$0x3FFD];
	_ =	sdelay $0x3  }
0x96: {  	_ =	strace s2  }
0x97: {  	_ =	strace $0x8FFFFFFF  }
0x98: {  	s18 =	sld [smem:$0x3FDB];
	_ =	sdelay $0x1  }
0x99: {  	s19 =	simm.s32 $_scs_section_size  }
0x9a: {  	s4 =	simm.s32 $_size__tile_overlayer_lowered;
	s5 =	simm.s32 $_tile_overlayer_lowered  }
0x9b: {  	s22 =	simm.s32 $0x1BFF;
	s21 =	sshll.u32 s5, $0x1;
	s2 =	sadd.s32 s19, s18  }
0x9c: {  	s6 =	simm.s32 $0x0;
	s20 =	sshll.u32 s4, $0x1;
	s4 =	sadd.s32 s21, s2  }
0x9d: {  	[timem:s6], [sflag:s22] =	dma.local [hbm:s4], s20  }
0x9e: {  	_ =	swait.ge [sflag:s22], s20  }
0x9f: {  	s3 =	ssub.s32 $0x0, s20;
	[sflag:s22] =	ssyncset.done $0x0  }
0xa0: {  	[sflag:s22] =	ssyncadd.s32 s3;
	_ =	sdelay $0x1  }
0xa1: {  	s23 =	simm.s32 $0x1B8B  }
0xa2: {  	_ =	swait.ge [sflag:s23], $0x1  }
0xa3: {  	[sflag:s23] =	ssyncset.done $0x0  }
0xa4: {  	s25 =	simm.s32 $0x1B8E;
	s24 =	sld [smem:$0x3FFE];
	[sflag:s23] =	ssyncadd.s32 $0xFFFFFFFF  }
0xa5: {  	s26 =	simm.s32 $execute0_lowered;
	[smem:$0x3FD2] =	sst s25  }
0xa6: {  	s4 =	sshll.u32 s26, $0x1;
	_ =	strace $0x8000004C;
	[dreg:$0x1] =	wrdreg $0xFFFFFFFF  }
0xa7: {  	s28 =	simm.s32 $_size_execute0_lowered;
	s2 =	sadd.s32 s2, s4;
	[dreg:$0x0] =	wrdreg $0x0  }
0xa8: {  	s4 =	sshll.u32 s28, $0x1;
	[dreg:$0x2] =	wrdreg s2  }
0xa9: {  	[dreg:$0x3] =	wrdreg s4  }
0xaa: {  	[dreg:$0x4] =	wrdreg $0xC0  }
0xab: {  	_ =	task [dreg:s6], $0x5FFFF  }
0xac: {  	[dreg:$0x1] =	wrdreg $0xFFFFFFFF  }
0xad: {  	[dreg:$0x0] =	wrdreg $0x60  }
0xae: {  	[dreg:$0x2] =	wrdreg s24  }
0xaf: {  	[dreg:$0x3] =	wrdreg $0x68000  }
0xb0: {  	[dreg:$0x4] =	wrdreg $0x9  }
0xb1: {  	_ =	task.clear_ibuf [dreg:s6], $0x5FFFF;
	_ =	strace $0x9000004C  }
0xb2: {  	s29 =	simm.s32 $0x9;
	_ =	strace $0x8000004E  }
0xb3: {  	_ =	swait.ge [sflag:s29], $0x1  }
0xb4: {  	[sflag:s29] =	ssyncadd.s32 $0xFFFFFFFF  }
0xb5: {  	_ =	strace $0x9000004E  }
0xb6: {  	_ =	sfence  }
0xb7: {  	s30 =	sld [smem:$0x0];
	_ =	sdelay $0x2  }
0xb8: {  	s31 =	sshll.u32 s1, $0xD;
	s1 =	sshrl.u32 s1, $0x2  }
0xb9: {  	s3 =	sand.u32 $0x4000, s31;
	s1 =	sadd.s32 s1, s30  }
0xba: {  	s0 =	sor.u32 s3, s0;
	s1 =	sshll.u32 s1, $0x11  }
0xbb: {  	s0 =	sor.u32 s1, s0  }
0xbc: {  	s0 =	sadd.s32 $0x8F2B, s0  }
0xbd: {  	[sflag:s0] =	ssyncadd.remote.s32 $0x1  }
0xbe: {  	_ =	sfence.sel $0xFFFF  }
0xbf: {  	[dreg:$0x0] =	wrdreg $0xFFFFFFFF;
	(pc) =	sbr.abs _section_cstart, $3  }
0xc0: {  	[dreg:$0x1] =	wrdreg $0xFFFFFFFF  }
0xc1: {  	_ =	task.clear_ibuf [dreg:s6], $0x2FFFF;
	_ =	strace $0x9FFFFFFF  }
0xc2: {  	(tm) =	ssettm $0x7FFFFFFF  }
0xc3: {  	_ =	shalt  }
tec
execute0_lowered:
.L_overlay_start_1:
0x0: {  	(tag) =	ssettag $0x1  }
0x1: {  	s6 =	rddreg [dreg:$0x0]  }
0x2: {  	s0 =	srdreg.scid;
	s2 =	rddreg [dreg:$0x1]  }
0x3: {  	s3 =	simm.s32 $0x0;
	s14 =	simm.s32 $0x80;
	s15 =	simm.s32 $0x5000  }
0x4: {  	s16 =	simm.s32 $0x1;
	s5 =	sand.u32 $0x1, s0;
	s0 =	stileid.u32  }
0x5: {  	s17 =	simm.s32 $0x0;
	[smem:$0x7FF] =	sst s3;
	s8 =	smul.u32 $0x7800, s0  }
0x6: {  	s4 =	sadd.s32 $0x16A00, s6;
	s1 =	sshll.u32 s5, $0x4;
	s9 =	smul.u32 $0x78000, s5  }
0x7: {  	s5 =	ssub.s32 $0x2, s5;
	s31 =	sshll.u32 s0, $0x6;
	s1 =	sor.u32 s0, s1  }
0x8: {  	s11 =	sshrl.u32 s5, $0x1;
	s7 =	smul.u32 $0x500, s1;
	s1 =	rddreg [dreg:$0x2]  }
0x9: {  	_ =	strace $0x8000004D;
	s29 =	sadd.s32 s8, s9;
	s30 =	sshrl.u32 s8, $0x3  }
0xa: {  	s11 =	ssub.s32 s5, s11;
	s13 =	sadd.s32 s8, s2;
	s9 =	sadd.s32 s30, s6  }
0xb: {  	s10 =	sadd.s32 s7, s6;
	s7 =	sshrl.u32 s29, $0x3;
	s5 =	sadd.s32 $0x25600, s9  }
0xc: {  	s12 =	sadd.s32 s7, s6;
	s6 =	sor.u32 $0x1C02, s31;
	s7 =	sadd.s32 $0xCA00, s10  }
0xd: {  	s8 =	sadd.s32 $0x2A00, s10;
	s10 =	smax.u32 s11, $0x1;
	s11 =	sshrl.u32 s13, $0x3  }
0xe: {  	s13 =	simm.s32 $0x2800;
	s9 =	sadd.s32 $0x34600, s12;
	s12 =	simm.s32 $0x2  }
.LBB2_1:
0xf: {  	[spmem:s11], [sflag:s6] =	dma.local [hbm:s5], $0xF00  }
0x10: {  	_ =	swait.ge [sflag:s12], $0xF00  }
0x11: {  	[sflag:s12] =	ssyncset.done $0x0  }
0x12: {  	[sflag:s12] =	ssyncadd.s32 $0xFFFFF100  }
0x13: {  	[tilespmem:s3], [sflag:$0x2] =	stream.linear.gather [hbm4b:s7+s3], $0x2800, $0x38;
	[tilespmem:$0xE000] =	vst v63  }
0x14: {  	_ =	swait.ge [sflag:s12], $0x2800  }
0x15: {  	[sflag:s12] =	ssyncset.done $0x0  }
0x16: {  	[sflag:s12] =	ssyncadd.s32 $0xFFFFD800  }
0x17: {  	[tilespmem:s13], [sflag:$0x2] =	stream.linear.gather [hbm4b:s8+s3], $0x2800, $0x38;
	[tilespmem:$0xE000] =	vst v63  }
0x18: {  	_ =	swait.ge [sflag:s12], $0x2800  }
0x19: {  	[sflag:s12] =	ssyncset.done $0x0  }
0x1a: {  	[sflag:s12] =	ssyncadd.s32 $0xFFFFD800  }
0x1b: {  	s18 =	simm.s32 $0x0;
	[bflag:$0x0] =	sbarrier.arrive $0xFFFF  }
0x1c: {  	[tilespmem:s15], [sflag:$0x1] =	stream.indirect.gather [hbm4b:s4+s14], $0x30, s18, s14, $0xb8;
	[tilespmem:$0xE000] =	vst v63  }
0x1d: {  	_ =	swait.ge [sflag:s16], $0x1800  }
0x1e: {  	[sflag:s16] =	ssyncset.done $0x0  }
0x1f: {  	s31 =	simm.s32 $0x2800;
	[sflag:s16] =	ssyncadd.s32 $0xFFFFE800  }
0x20: {  	[spmem:s2] =	stream.indirect.scatter.add.f32 [tilespmem:s15], [sflag:$0x2], $0x30, s31, s14, $0xb8;
	[tilespmem:$0xE000] =	vst v63  }
0x21: {  	_ =	swait.ge [sflag:s12], $0x1800  }
0x22: {  	s19 =	simm.s32 $0x400;
	s18 =	simm.s32 $0x200;
	[sflag:s12] =	ssyncset.done $0x0  }
.LBB2_2:
0x23: {  	s20 =	sshra.s32 s18, $0x2  }
0x24: {  	[sflag:s12] =	ssyncadd.s32 $0xFFFFE800;
	s18 =	smov.u32 s19;
	s21 =	sadd.s32 $0x200, s19  }
0x25: {  	[tilespmem:s15], [sflag:$0x1] =	stream.indirect.gather [hbm4b:s4+s14], $0x30, s20, s14, $0xb8;
	[tilespmem:$0xE000] =	vst v63  }
0x26: {  	p0 =	sne.s32 s19, $0x9E00;
	_ =	swait.ge [sflag:s16], $0x1800  }
.Ltmp0:
0x27: {  	[sflag:s16] =	ssyncset.done $0x0;
	(pc) =	sbr.rel @p0 .LBB2_2-.Ltmp0, $4  }
0x28: {  	s19 =	sadd.s32 $0x2800, s20;
	[sflag:s16] =	ssyncadd.s32 $0xFFFFE800  }
0x29: {  	[spmem:s2] =	stream.indirect.scatter.add.f32 [tilespmem:s15], [sflag:$0x2], $0x30, s19, s14, $0xb8;
	[tilespmem:$0xE000] =	vst v63  }
0x2a: {  	_ =	swait.ge [sflag:s12], $0x1800  }
0x2b: {  	s19 =	smov.u32 s21;
	[sflag:s12] =	ssyncset.done $0x0  }
0x2c: {  	s18 =	sshra.s32 s18, $0x2;
	[sflag:s12] =	ssyncadd.s32 $0xFFFFE800  }
0x2d: {  	[tilespmem:s15], [sflag:$0x1] =	stream.indirect.gather [hbm4b:s4+s14], $0x30, s18, s14, $0xb8;
	[tilespmem:$0xE000] =	vst v63  }
0x2e: {  	_ =	swait.ge [sflag:s16], $0x1800  }
0x2f: {  	[sflag:s16] =	ssyncset.done $0x0  }
0x30: {  	s18 =	sadd.s32 $0x2800, s18;
	[sflag:s16] =	ssyncadd.s32 $0xFFFFE800  }
0x31: {  	[spmem:s2] =	stream.indirect.scatter.add.f32 [tilespmem:s15], [sflag:$0x2], $0x30, s18, s14, $0xb8;
	[tilespmem:$0xE000] =	vst v63  }
0x32: {  	_ =	swait.ge [sflag:s12], $0x1800  }
0x33: {  	s17 =	sadd.s32 $0x1, s17;
	[sflag:s12] =	ssyncset.done $0x0  }
0x34: {  	p0 =	sne.s32 s17, s10;
	[sflag:s12] =	ssyncadd.s32 $0xFFFFE800  }
.Ltmp1:
0x35: {  	[bflag:$0x0] =	sbarrier.arrive $0xFFFF;
	(pc) =	sbr.rel @p0 .LBB2_1-.Ltmp1, $4  }
0x36: {  	[hbm:s9], [sflag:s6] =	dma.local [spmem:s11], $0xF00  }
0x37: {  	_ =	swait.ge [sflag:s12], $0xF00  }
0x38: {  	[sflag:s12] =	ssyncset.done $0x0  }
0x39: {  	[sflag:s12] =	ssyncadd.s32 $0xFFFFF100  }
0x3a: {  	_ =	sfence.sel $0x180000  }
0x3b: {  	[bflag:$0x0] =	sbarrier.arrive $0xFFFF  }
0x3c: {  	p0 =	sne.s32 s0, $0x0;
	_ =	strace $0x9000004D  }
0x3d: {  	s0 =	sadd.s32 @!p0 $0x100000, s1;
	[bflag:$0x2] =	sbarrier.arrive $0xFFFF  }
0x3e: {  	[sflag:s0] =	ssyncadd.tile.s32 @!p0 $0x1;
	_ =	shalt  }
.Lfunc_end2:
_tile_overlayer_lowered:
.L_overlay_start_2:
0x3f: {  	(tag) =	ssettag $0x2  }
0x40: {  	s0 =	rddreg [dreg:$0x0];
	s2 =	stileid.u32  }
0x41: {  	s1 =	rddreg [dreg:$0x1];
	p0 =	sne.s32 s2, $0x0  }
0x42: {  	s3 =	rddreg [dreg:$0x2];
	[bflag:$0x3] =	sbarrier.arrive $0xFFFF;
	s2 =	simm.s32 @!p0 $0x1C02  }
0x43: {  	[timem:s3], [sflag:s2] =	dma.local @!p0 [hbm:s0], s1  }
0x44: {  	s0 =	simm.s32 @!p0 $0x2  }
0x45: {  	_ =	swait.ge @!p0 [sflag:s0], s1  }
0x46: {  	s1 =	ssub.s32 @!p0 $0x0, s1;
	[sflag:s0] =	ssyncset.done @!p0 $0x0  }
0x47: {  	[sflag:s0] =	ssyncadd.s32 @!p0 s1  }
0x48: {  	[bflag:$0x3] =	sbarrier.arrive $0xFFFF  }
0x49: {  	_ =	shalt  }

// kernel: kernel.21.cloned.1.call-start
scs
__scs_entry_jumppad:
0x0: {  	(pc) =	sbr.rel $0x88, $3  }
0x1: {  	(tag) =	ssettag $0x0;
	lr =	simm.s32 $0x1  }
0x2: {  	[smem:$0x3F96] =	sst lr;
	_ =	strace $0xD0000000  }
0x3: {  	_ = 	snop  }
0x4: {  	_ = 	snop  }
0x5: {  	_ = 	snop  }
0x6: {  	_ = 	snop  }
0x7: {  	_ = 	snop  }
__scs_overlays_trampoline_lowered:
0x8: {  	[smem:$0x3FA5] =	sst s0  }
0x9: {  	[smem:$0x3FA6] =	sst s1  }
0xa: {  	[smem:$0x3FA7] =	sst s2  }
0xb: {  	[smem:$0x3FA8] =	sst s3  }
0xc: {  	[smem:$0x3FA9] =	sst s4  }
0xd: {  	[smem:$0x3FAA] =	sst s5  }
0xe: {  	[smem:$0x3FAB] =	sst s6  }
0xf: {  	[smem:$0x3FAC] =	sst s7  }
0x10: {  	[smem:$0x3FAD] =	sst s8  }
0x11: {  	[smem:$0x3FAE] =	sst s9;
	s0 =	simm.s32 @!p0 $0x0  }
0x12: {  	s1 =	sld [smem:$0x3F94];
	s0 =	simm.s32 @p0 $0x1  }
0x13: {  	[smem:$0x3FAF] =	sst s0;
	s0 =	simm.s32 @!p1 $0x0  }
0x14: {  	s2 =	sld [smem:$0x3F93];
	s0 =	simm.s32 @p1 $0x1  }
0x15: {  	[smem:$0x3FB0] =	sst s0;
	s0 =	simm.s32 @!p2 $0x0  }
0x16: {  	s3 =	sld [smem:$0x3FDB];
	s0 =	simm.s32 @p2 $0x1  }
0x17: {  	s4 =	simm.s32 $0x1BF5;
	[smem:$0x3FB2] =	sst s0  }
0x18: {  	s0 =	sld [smem:$0x3F95];
	_ =	swait.ge [sflag:s4], $0x0  }
0x19: {  	s7 =	sld [smem:$0x3F96]  }
0x1a: {  	s8 =	sadd.s32 $0xFFFFE003, lr  }
0x1b: {  	s9 =	sadd.s32 $0xFFFFFEF7, lr;
	s5 =	simm.s32 $0xFFFFFFFF;
	p2 =	slt.u32 s8, $0xFFFFF086  }
0x1c: {  	p1 =	slt.u32 s9, $0xF7A;
	s5 =	simm.s32 @!p2 $0x0  }
0x1d: {  	s5 =	simm.s32 @p1 $0x1;
	p0 =	seq.s32 s7, s2  }
0x1e: {  	s7 =	smul.u32 @!p0 $0xF7A, s2;
	p2 =	seq.s32 @!p0 s5, $0x0  }
0x1f: {  	s9 =	smul.u32 $0xF7A, s1;
	s8 =	simm.s32 @!p0 $0x1BF5;
	p2 =	por !p2, p0  }
0x20: {  	[sflag:s8] =	ssyncset.s32 @!p0 $0xFFFFF086;
	s6 =	sadd.s32 @!p0 s3, s7;
	s7 =	simm.s32 @!p0 $0x108  }
0x21: {  	s3 =	sadd.s32 s3, s9;
	s6 =	sadd.s32 @!p0 $0x88, s6;
	s7 =	simm.s32 @p2 $0x1082  }
0x22: {  	[simem:s7], [sflag:s8] =	dma.local @!p0 [hbm:s6], $0xF7A  }
0x23: {  	s9 =	sor.u32 $0xD0000000, s2;
	s6 =	simm.s32 $0x108;
	_ =	swait.ge @!p0 [sflag:s8], $0x0  }
0x24: {  	s3 =	sadd.s32 $0x88, s3;
	s6 =	simm.s32 @!p1 $0x1082;
	[sflag:s4] =	ssyncset.s32 $0xFFFFF086  }
0x25: {  	[simem:s6], [sflag:s4] =	dma.local [hbm:s3], $0xF7A  }
0x26: {  	[smem:$0x3F96] =	sst s1;
	(tag) =	ssettag s2;
	_ =	strace s9  }
0x27: {  	s1 =	sld [smem:$0x3FA6]  }
0x28: {  	s2 =	sld [smem:$0x3FA7]  }
0x29: {  	s4 =	sld [smem:$0x3FA9]  }
0x2a: {  	p0 =	seq.s32 s5, $0x0;
	s5 =	sld [smem:$0x3FAA]  }
0x2b: {  	s6 =	sld [smem:$0x3FAB]  }
0x2c: {  	s7 =	sld [smem:$0x3FAC]  }
0x2d: {  	s3 =	simm.s32 $0x108;
	s8 =	sld [smem:$0x3FAD]  }
0x2e: {  	s3 =	simm.s32 @!p0 $0x1082;
	s9 =	sld [smem:$0x3FAE]  }
0x2f: {  	lr =	sadd.s32 s0, s3;
	s0 =	sld [smem:$0x3FA5]  }
0x30: {  	s3 =	sld [smem:$0x3FA8]  }
0x31: {  	[smem:$0x3FB1] =	sst s10  }
0x32: {  	s10 =	sld [smem:$0x3FAF];
	_ =	sdelay $0x3  }
0x33: {  	p0 =	seq.s32 s10, $0x1;
	s10 =	sld [smem:$0x3FB1];
	_ =	sdelay $0x3  }
0x34: {  	[smem:$0x3FB1] =	sst s10  }
0x35: {  	s10 =	sld [smem:$0x3FB0];
	_ =	sdelay $0x3  }
0x36: {  	p1 =	seq.s32 s10, $0x1;
	s10 =	sld [smem:$0x3FB1];
	_ =	sdelay $0x3  }
0x37: {  	[smem:$0x3FB1] =	sst s10  }
0x38: {  	s10 =	sld [smem:$0x3FB2]  }
0x39: {  	_ = 	snop;
	(pc) =	sbr.ind lr, $3  }
0x3a: {  	_ = 	snop  }
0x3b: {  	_ = 	snop  }
0x3c: {  	p2 =	seq.s32 s10, $0x1;
	s10 =	sld [smem:$0x3FB1]  }
0x3d: {  	_ =	shalt  }
0x3e: {  	_ =	shalt  }
0x3f: {  	_ =	shalt  }
0x40: {  	_ =	shalt  }
0x41: {  	_ =	shalt  }
0x42: {  	_ =	shalt  }
0x43: {  	_ =	shalt  }
0x44: {  	_ =	shalt  }
0x45: {  	_ =	shalt  }
0x46: {  	_ =	shalt  }
0x47: {  	_ =	shalt  }
0x48: {  	_ =	shalt  }
0x49: {  	_ =	shalt  }
0x4a: {  	_ =	shalt  }
0x4b: {  	_ =	shalt  }
0x4c: {  	_ =	shalt  }
0x4d: {  	_ =	shalt  }
0x4e: {  	_ =	shalt  }
0x4f: {  	_ =	shalt  }
0x50: {  	_ =	shalt  }
0x51: {  	_ =	shalt  }
0x52: {  	_ =	shalt  }
0x53: {  	_ =	shalt  }
0x54: {  	_ =	shalt  }
0x55: {  	_ =	shalt  }
0x56: {  	_ =	shalt  }
0x57: {  	_ =	shalt  }
0x58: {  	_ =	shalt  }
0x59: {  	_ =	shalt  }
0x5a: {  	_ =	shalt  }
0x5b: {  	_ =	shalt  }
0x5c: {  	_ =	shalt  }
0x5d: {  	_ =	shalt  }
0x5e: {  	_ =	shalt  }
0x5f: {  	_ =	shalt  }
0x60: {  	_ =	shalt  }
0x61: {  	_ =	shalt  }
0x62: {  	_ =	shalt  }
0x63: {  	_ =	shalt  }
0x64: {  	_ =	shalt  }
0x65: {  	_ =	shalt  }
0x66: {  	_ =	shalt  }
0x67: {  	_ =	shalt  }
0x68: {  	_ =	shalt  }
0x69: {  	_ =	shalt  }
0x6a: {  	_ =	shalt  }
0x6b: {  	_ =	shalt  }
0x6c: {  	_ =	shalt  }
0x6d: {  	_ =	shalt  }
0x6e: {  	_ =	shalt  }
0x6f: {  	_ =	shalt  }
0x70: {  	_ =	shalt  }
0x71: {  	_ =	shalt  }
0x72: {  	_ =	shalt  }
0x73: {  	_ =	shalt  }
0x74: {  	_ =	shalt  }
0x75: {  	_ =	shalt  }
0x76: {  	_ =	shalt  }
0x77: {  	_ =	shalt  }
0x78: {  	_ =	shalt  }
0x79: {  	_ =	shalt  }
0x7a: {  	_ =	shalt  }
0x7b: {  	_ =	shalt  }
0x7c: {  	_ =	shalt  }
0x7d: {  	_ =	shalt  }
0x7e: {  	_ =	shalt  }
0x7f: {  	_ =	shalt  }
0x80: {  	_ =	shalt  }
0x81: {  	_ =	shalt  }
0x82: {  	_ =	shalt  }
0x83: {  	_ =	shalt  }
0x84: {  	_ =	shalt  }
0x85: {  	_ =	shalt  }
0x86: {  	_ =	shalt  }
0x87: {  	_ =	shalt  }
.Lfunc_end0:
.L_simem_size_0:
called_computation.3_lowered:
.L_overlay_start_0:
0x88: {  	s2 =	sld [smem:$0x3FD9]  }
0x89: {  	s3 =	sld [smem:$0x3FFE];
	_ =	sdelay $0x1  }
0x8a: {  	s1 =	srdreg.scid  }
0x8b: {  	s0 =	sand.u32 $0x1, s1  }
0x8c: {  	s16 =	sshll.u32 s0, $0xA;
	s2 =	sadd.s32 s3, s2  }
0x8d: {  	s2 =	sadd.s32 s2, s16  }
0x8e: {  	[smem:$0x3FBD] =	sst s2  }
0x8f: {  	_ = 	snop  }
0x90: {  	(tm) =	ssettm $0x1  }
0x91: {  	s17 =	sld [smem:$0x3FFB];
	_ =	sdelay $0x3  }
0x92: {  	_ =	strace s17  }
0x93: {  	s2 =	sld [smem:$0x3FFC];
	_ =	sdelay $0x3  }
0x94: {  	_ =	strace s2  }
0x95: {  	s2 =	sld [smem:$0x3FFD];
	_ =	sdelay $0x3  }
0x96: {  	_ =	strace s2  }
0x97: {  	_ =	strace $0x8FFFFFFF  }
0x98: {  	s18 =	sld [smem:$0x3FDB];
	_ =	sdelay $0x1  }
0x99: {  	s19 =	simm.s32 $_scs_section_size  }
0x9a: {  	s4 =	simm.s32 $_size__tile_overlayer_lowered;
	s5 =	simm.s32 $_tile_overlayer_lowered  }
0x9b: {  	s22 =	simm.s32 $0x1BFF;
	s21 =	sshll.u32 s5, $0x1;
	s2 =	sadd.s32 s19, s18  }
0x9c: {  	s6 =	simm.s32 $0x0;
	s20 =	sshll.u32 s4, $0x1;
	s4 =	sadd.s32 s21, s2  }
0x9d: {  	[timem:s6], [sflag:s22] =	dma.local [hbm:s4], s20  }
0x9e: {  	_ =	swait.ge [sflag:s22], s20  }
0x9f: {  	s3 =	ssub.s32 $0x0, s20;
	[sflag:s22] =	ssyncset.done $0x0  }
0xa0: {  	[sflag:s22] =	ssyncadd.s32 s3;
	_ =	sdelay $0x1  }
0xa1: {  	s23 =	simm.s32 $0x1B8B  }
0xa2: {  	_ =	swait.ge [sflag:s23], $0x1  }
0xa3: {  	[sflag:s23] =	ssyncset.done $0x0  }
0xa4: {  	s25 =	simm.s32 $0x1B8E;
	s24 =	sld [smem:$0x3FFE];
	[sflag:s23] =	ssyncadd.s32 $0xFFFFFFFF  }
0xa5: {  	s26 =	simm.s32 $execute0_lowered;
	[smem:$0x3FD2] =	sst s25  }
0xa6: {  	s4 =	sshll.u32 s26, $0x1;
	_ =	strace $0x8000004F;
	[dreg:$0x1] =	wrdreg $0xFFFFFFFF  }
0xa7: {  	s28 =	simm.s32 $_size_execute0_lowered;
	s2 =	sadd.s32 s2, s4;
	[dreg:$0x0] =	wrdreg $0x0  }
0xa8: {  	s4 =	sshll.u32 s28, $0x1;
	[dreg:$0x2] =	wrdreg s2  }
0xa9: {  	[dreg:$0x3] =	wrdreg s4  }
0xaa: {  	[dreg:$0x4] =	wrdreg $0xC0  }
0xab: {  	_ =	task [dreg:s6], $0x5FFFF  }
0xac: {  	[dreg:$0x1] =	wrdreg $0xFFFFFFFF  }
0xad: {  	[dreg:$0x0] =	wrdreg $0x60  }
0xae: {  	[dreg:$0x2] =	wrdreg s24  }
0xaf: {  	[dreg:$0x3] =	wrdreg $0x70000  }
0xb0: {  	[dreg:$0x4] =	wrdreg $0x9  }
0xb1: {  	_ =	task.clear_ibuf [dreg:s6], $0x5FFFF;
	_ =	strace $0x9000004F  }
0xb2: {  	s29 =	simm.s32 $0x9;
	_ =	strace $0x80000051  }
0xb3: {  	_ =	swait.ge [sflag:s29], $0x1  }
0xb4: {  	[sflag:s29] =	ssyncadd.s32 $0xFFFFFFFF  }
0xb5: {  	_ =	strace $0x90000051  }
0xb6: {  	_ =	sfence  }
0xb7: {  	s30 =	sld [smem:$0x0];
	_ =	sdelay $0x2  }
0xb8: {  	s31 =	sshll.u32 s1, $0xD;
	s1 =	sshrl.u32 s1, $0x2  }
0xb9: {  	s3 =	sand.u32 $0x4000, s31;
	s1 =	sadd.s32 s1, s30  }
0xba: {  	s0 =	sor.u32 s3, s0;
	s1 =	sshll.u32 s1, $0x11  }
0xbb: {  	s0 =	sor.u32 s1, s0  }
0xbc: {  	s0 =	sadd.s32 $0x8F2B, s0  }
0xbd: {  	[sflag:s0] =	ssyncadd.remote.s32 $0x1  }
0xbe: {  	_ =	sfence.sel $0xFFFF  }
0xbf: {  	[dreg:$0x0] =	wrdreg $0xFFFFFFFF;
	(pc) =	sbr.abs _section_cstart, $3  }
0xc0: {  	[dreg:$0x1] =	wrdreg $0xFFFFFFFF  }
0xc1: {  	_ =	task.clear_ibuf [dreg:s6], $0x2FFFF;
	_ =	strace $0x9FFFFFFF  }
0xc2: {  	(tm) =	ssettm $0x7FFFFFFF  }
0xc3: {  	_ =	shalt  }
tec
execute0_lowered:
.L_overlay_start_1:
0x0: {  	(tag) =	ssettag $0x1  }
0x1: {  	s6 =	rddreg [dreg:$0x0]  }
0x2: {  	s0 =	srdreg.scid;
	s2 =	rddreg [dreg:$0x1]  }
0x3: {  	s3 =	simm.s32 $0x0;
	s14 =	simm.s32 $0x80;
	s15 =	simm.s32 $0x5000  }
0x4: {  	s16 =	simm.s32 $0x1;
	s5 =	sand.u32 $0x1, s0;
	s0 =	stileid.u32  }
0x5: {  	s17 =	simm.s32 $0x0;
	[smem:$0x7FF] =	sst s3;
	s8 =	smul.u32 $0xA000, s0  }
0x6: {  	s4 =	sadd.s32 $0x16A00, s6;
	s1 =	sshll.u32 s5, $0x4;
	s9 =	smul.u32 $0xA0000, s5  }
0x7: {  	s5 =	ssub.s32 $0x2, s5;
	s31 =	sshll.u32 s0, $0x6;
	s1 =	sor.u32 s0, s1  }
0x8: {  	s11 =	sshrl.u32 s5, $0x1;
	s7 =	smul.u32 $0x500, s1;
	s1 =	rddreg [dreg:$0x2]  }
0x9: {  	_ =	strace $0x80000050;
	s29 =	sadd.s32 s8, s9;
	s30 =	sshrl.u32 s8, $0x3  }
0xa: {  	s11 =	ssub.s32 s5, s11;
	s13 =	sadd.s32 s8, s2;
	s9 =	sadd.s32 s30, s6  }
0xb: {  	s10 =	sadd.s32 s7, s6;
	s7 =	sshrl.u32 s29, $0x3;
	s5 =	sadd.s32 $0x2A400, s9  }
0xc: {  	s12 =	sadd.s32 s7, s6;
	s6 =	sor.u32 $0x1C02, s31;
	s7 =	sadd.s32 $0xCA00, s10  }
0xd: {  	s8 =	sadd.s32 $0x2A00, s10;
	s10 =	smax.u32 s11, $0x1;
	s11 =	sshrl.u32 s13, $0x3  }
0xe: {  	s13 =	simm.s32 $0x2800;
	s9 =	sadd.s32 $0x3E400, s12;
	s12 =	simm.s32 $0x2  }
.LBB2_1:
0xf: {  	[spmem:s11], [sflag:s6] =	dma.local [hbm:s5], $0x1400  }
0x10: {  	_ =	swait.ge [sflag:s12], $0x1400  }
0x11: {  	[sflag:s12] =	ssyncset.done $0x0  }
0x12: {  	[sflag:s12] =	ssyncadd.s32 $0xFFFFEC00  }
0x13: {  	[tilespmem:s3], [sflag:$0x2] =	stream.linear.gather [hbm4b:s7+s3], $0x2800, $0x38;
	[tilespmem:$0x11000] =	vst v63  }
0x14: {  	_ =	swait.ge [sflag:s12], $0x2800  }
0x15: {  	[sflag:s12] =	ssyncset.done $0x0  }
0x16: {  	[sflag:s12] =	ssyncadd.s32 $0xFFFFD800  }
0x17: {  	[tilespmem:s13], [sflag:$0x2] =	stream.linear.gather [hbm4b:s8+s3], $0x2800, $0x38;
	[tilespmem:$0x11000] =	vst v63  }
0x18: {  	_ =	swait.ge [sflag:s12], $0x2800  }
0x19: {  	[sflag:s12] =	ssyncset.done $0x0  }
0x1a: {  	[sflag:s12] =	ssyncadd.s32 $0xFFFFD800  }
0x1b: {  	s18 =	simm.s32 $0x0;
	[bflag:$0x0] =	sbarrier.arrive $0xFFFF  }
0x1c: {  	[tilespmem:s15], [sflag:$0x1] =	stream.indirect.gather [hbm4b:s4+s14], $0x40, s18, s14, $0xb8;
	[tilespmem:$0x11000] =	vst v63  }
0x1d: {  	_ =	swait.ge [sflag:s16], $0x2000  }
0x1e: {  	[sflag:s16] =	ssyncset.done $0x0  }
0x1f: {  	s31 =	simm.s32 $0x2800;
	[sflag:s16] =	ssyncadd.s32 $0xFFFFE000  }
0x20: {  	[spmem:s2] =	stream.indirect.scatter.add.f32 [tilespmem:s15], [sflag:$0x2], $0x40, s31, s14, $0xb8;
	[tilespmem:$0x11000] =	vst v63  }
0x21: {  	_ =	swait.ge [sflag:s12], $0x2000  }
0x22: {  	s19 =	simm.s32 $0x400;
	s18 =	simm.s32 $0x200;
	[sflag:s12] =	ssyncset.done $0x0  }
.LBB2_2:
0x23: {  	s20 =	sshra.s32 s18, $0x2  }
0x24: {  	[sflag:s12] =	ssyncadd.s32 $0xFFFFE000;
	s18 =	smov.u32 s19;
	s21 =	sadd.s32 $0x200, s19  }
0x25: {  	[tilespmem:s15], [sflag:$0x1] =	stream.indirect.gather [hbm4b:s4+s14], $0x40, s20, s14, $0xb8;
	[tilespmem:$0x11000] =	vst v63  }
0x26: {  	p0 =	sne.s32 s19, $0x9E00;
	_ =	swait.ge [sflag:s16], $0x2000  }
.Ltmp0:
0x27: {  	[sflag:s16] =	ssyncset.done $0x0;
	(pc) =	sbr.rel @p0 .LBB2_2-.Ltmp0, $4  }
0x28: {  	s19 =	sadd.s32 $0x2800, s20;
	[sflag:s16] =	ssyncadd.s32 $0xFFFFE000  }
0x29: {  	[spmem:s2] =	stream.indirect.scatter.add.f32 [tilespmem:s15], [sflag:$0x2], $0x40, s19, s14, $0xb8;
	[tilespmem:$0x11000] =	vst v63  }
0x2a: {  	_ =	swait.ge [sflag:s12], $0x2000  }
0x2b: {  	s19 =	smov.u32 s21;
	[sflag:s12] =	ssyncset.done $0x0  }
0x2c: {  	s18 =	sshra.s32 s18, $0x2;
	[sflag:s12] =	ssyncadd.s32 $0xFFFFE000  }
0x2d: {  	[tilespmem:s15], [sflag:$0x1] =	stream.indirect.gather [hbm4b:s4+s14], $0x40, s18, s14, $0xb8;
	[tilespmem:$0x11000] =	vst v63  }
0x2e: {  	_ =	swait.ge [sflag:s16], $0x2000  }
0x2f: {  	[sflag:s16] =	ssyncset.done $0x0  }
0x30: {  	s18 =	sadd.s32 $0x2800, s18;
	[sflag:s16] =	ssyncadd.s32 $0xFFFFE000  }
0x31: {  	[spmem:s2] =	stream.indirect.scatter.add.f32 [tilespmem:s15], [sflag:$0x2], $0x40, s18, s14, $0xb8;
	[tilespmem:$0x11000] =	vst v63  }
0x32: {  	_ =	swait.ge [sflag:s12], $0x2000  }
0x33: {  	s17 =	sadd.s32 $0x1, s17;
	[sflag:s12] =	ssyncset.done $0x0  }
0x34: {  	p0 =	sne.s32 s17, s10;
	[sflag:s12] =	ssyncadd.s32 $0xFFFFE000  }
.Ltmp1:
0x35: {  	[bflag:$0x0] =	sbarrier.arrive $0xFFFF;
	(pc) =	sbr.rel @p0 .LBB2_1-.Ltmp1, $4  }
0x36: {  	[hbm:s9], [sflag:s6] =	dma.local [spmem:s11], $0x1400  }
0x37: {  	_ =	swait.ge [sflag:s12], $0x1400  }
0x38: {  	[sflag:s12] =	ssyncset.done $0x0  }
0x39: {  	[sflag:s12] =	ssyncadd.s32 $0xFFFFEC00  }
0x3a: {  	_ =	sfence.sel $0x180000  }
0x3b: {  	[bflag:$0x0] =	sbarrier.arrive $0xFFFF  }
0x3c: {  	p0 =	sne.s32 s0, $0x0;
	_ =	strace $0x90000050  }
0x3d: {  	s0 =	sadd.s32 @!p0 $0x100000, s1;
	[bflag:$0x2] =	sbarrier.arrive $0xFFFF  }
0x3e: {  	[sflag:s0] =	ssyncadd.tile.s32 @!p0 $0x1;
	_ =	shalt  }
.Lfunc_end2:
_tile_overlayer_lowered:
.L_overlay_start_2:
0x3f: {  	(tag) =	ssettag $0x2  }
0x40: {  	s0 =	rddreg [dreg:$0x0];
	s2 =	stileid.u32  }
0x41: {  	s1 =	rddreg [dreg:$0x1];
	p0 =	sne.s32 s2, $0x0  }
0x42: {  	s3 =	rddreg [dreg:$0x2];
	[bflag:$0x3] =	sbarrier.arrive $0xFFFF;
	s2 =	simm.s32 @!p0 $0x1C02  }
0x43: {  	[timem:s3], [sflag:s2] =	dma.local @!p0 [hbm:s0], s1  }
0x44: {  	s0 =	simm.s32 @!p0 $0x2  }
0x45: {  	_ =	swait.ge @!p0 [sflag:s0], s1  }
0x46: {  	s1 =	ssub.s32 @!p0 $0x0, s1;
	[sflag:s0] =	ssyncset.done @!p0 $0x0  }
0x47: {  	[sflag:s0] =	ssyncadd.s32 @!p0 s1  }
0x48: {  	[bflag:$0x3] =	sbarrier.arrive $0xFFFF  }
0x49: {  	_ =	shalt  }

// kernel: kernel.24.cloned.1.call-start
scs
__scs_entry_jumppad:
0x0: {  	(pc) =	sbr.rel $0x88, $3  }
0x1: {  	(tag) =	ssettag $0x0;
	lr =	simm.s32 $0x1  }
0x2: {  	[smem:$0x3F96] =	sst lr;
	_ =	strace $0xD0000000  }
0x3: {  	_ = 	snop  }
0x4: {  	_ = 	snop  }
0x5: {  	_ = 	snop  }
0x6: {  	_ = 	snop  }
0x7: {  	_ = 	snop  }
__scs_overlays_trampoline_lowered:
0x8: {  	[smem:$0x3FA5] =	sst s0  }
0x9: {  	[smem:$0x3FA6] =	sst s1  }
0xa: {  	[smem:$0x3FA7] =	sst s2  }
0xb: {  	[smem:$0x3FA8] =	sst s3  }
0xc: {  	[smem:$0x3FA9] =	sst s4  }
0xd: {  	[smem:$0x3FAA] =	sst s5  }
0xe: {  	[smem:$0x3FAB] =	sst s6  }
0xf: {  	[smem:$0x3FAC] =	sst s7  }
0x10: {  	[smem:$0x3FAD] =	sst s8  }
0x11: {  	[smem:$0x3FAE] =	sst s9;
	s0 =	simm.s32 @!p0 $0x0  }
0x12: {  	s1 =	sld [smem:$0x3F94];
	s0 =	simm.s32 @p0 $0x1  }
0x13: {  	[smem:$0x3FAF] =	sst s0;
	s0 =	simm.s32 @!p1 $0x0  }
0x14: {  	s2 =	sld [smem:$0x3F93];
	s0 =	simm.s32 @p1 $0x1  }
0x15: {  	[smem:$0x3FB0] =	sst s0;
	s0 =	simm.s32 @!p2 $0x0  }
0x16: {  	s3 =	sld [smem:$0x3FDB];
	s0 =	simm.s32 @p2 $0x1  }
0x17: {  	s4 =	simm.s32 $0x1BF5;
	[smem:$0x3FB2] =	sst s0  }
0x18: {  	s0 =	sld [smem:$0x3F95];
	_ =	swait.ge [sflag:s4], $0x0  }
0x19: {  	s7 =	sld [smem:$0x3F96]  }
0x1a: {  	s8 =	sadd.s32 $0xFFFFE003, lr  }
0x1b: {  	s9 =	sadd.s32 $0xFFFFFEF7, lr;
	s5 =	simm.s32 $0xFFFFFFFF;
	p2 =	slt.u32 s8, $0xFFFFF086  }
0x1c: {  	p1 =	slt.u32 s9, $0xF7A;
	s5 =	simm.s32 @!p2 $0x0  }
0x1d: {  	s5 =	simm.s32 @p1 $0x1;
	p0 =	seq.s32 s7, s2  }
0x1e: {  	s7 =	smul.u32 @!p0 $0xF7A, s2;
	p2 =	seq.s32 @!p0 s5, $0x0  }
0x1f: {  	s9 =	smul.u32 $0xF7A, s1;
	s8 =	simm.s32 @!p0 $0x1BF5;
	p2 =	por !p2, p0  }
0x20: {  	[sflag:s8] =	ssyncset.s32 @!p0 $0xFFFFF086;
	s6 =	sadd.s32 @!p0 s3, s7;
	s7 =	simm.s32 @!p0 $0x108  }
0x21: {  	s3 =	sadd.s32 s3, s9;
	s6 =	sadd.s32 @!p0 $0x88, s6;
	s7 =	simm.s32 @p2 $0x1082  }
0x22: {  	[simem:s7], [sflag:s8] =	dma.local @!p0 [hbm:s6], $0xF7A  }
0x23: {  	s9 =	sor.u32 $0xD0000000, s2;
	s6 =	simm.s32 $0x108;
	_ =	swait.ge @!p0 [sflag:s8], $0x0  }
0x24: {  	s3 =	sadd.s32 $0x88, s3;
	s6 =	simm.s32 @!p1 $0x1082;
	[sflag:s4] =	ssyncset.s32 $0xFFFFF086  }
0x25: {  	[simem:s6], [sflag:s4] =	dma.local [hbm:s3], $0xF7A  }
0x26: {  	[smem:$0x3F96] =	sst s1;
	(tag) =	ssettag s2;
	_ =	strace s9  }
0x27: {  	s1 =	sld [smem:$0x3FA6]  }
0x28: {  	s2 =	sld [smem:$0x3FA7]  }
0x29: {  	s4 =	sld [smem:$0x3FA9]  }
0x2a: {  	p0 =	seq.s32 s5, $0x0;
	s5 =	sld [smem:$0x3FAA]  }
0x2b: {  	s6 =	sld [smem:$0x3FAB]  }
0x2c: {  	s7 =	sld [smem:$0x3FAC]  }
0x2d: {  	s3 =	simm.s32 $0x108;
	s8 =	sld [smem:$0x3FAD]  }
0x2e: {  	s3 =	simm.s32 @!p0 $0x1082;
	s9 =	sld [smem:$0x3FAE]  }
0x2f: {  	lr =	sadd.s32 s0, s3;
	s0 =	sld [smem:$0x3FA5]  }
0x30: {  	s3 =	sld [smem:$0x3FA8]  }
0x31: {  	[smem:$0x3FB1] =	sst s10  }
0x32: {  	s10 =	sld [smem:$0x3FAF];
	_ =	sdelay $0x3  }
0x33: {  	p0 =	seq.s32 s10, $0x1;
	s10 =	sld [smem:$0x3FB1];
	_ =	sdelay $0x3  }
0x34: {  	[smem:$0x3FB1] =	sst s10  }
0x35: {  	s10 =	sld [smem:$0x3FB0];
	_ =	sdelay $0x3  }
0x36: {  	p1 =	seq.s32 s10, $0x1;
	s10 =	sld [smem:$0x3FB1];
	_ =	sdelay $0x3  }
0x37: {  	[smem:$0x3FB1] =	sst s10  }
0x38: {  	s10 =	sld [smem:$0x3FB2]  }
0x39: {  	_ = 	snop;
	(pc) =	sbr.ind lr, $3  }
0x3a: {  	_ = 	snop  }
0x3b: {  	_ = 	snop  }
0x3c: {  	p2 =	seq.s32 s10, $0x1;
	s10 =	sld [smem:$0x3FB1]  }
0x3d: {  	_ =	shalt  }
0x3e: {  	_ =	shalt  }
0x3f: {  	_ =	shalt  }
0x40: {  	_ =	shalt  }
0x41: {  	_ =	shalt  }
0x42: {  	_ =	shalt  }
0x43: {  	_ =	shalt  }
0x44: {  	_ =	shalt  }
0x45: {  	_ =	shalt  }
0x46: {  	_ =	shalt  }
0x47: {  	_ =	shalt  }
0x48: {  	_ =	shalt  }
0x49: {  	_ =	shalt  }
0x4a: {  	_ =	shalt  }
0x4b: {  	_ =	shalt  }
0x4c: {  	_ =	shalt  }
0x4d: {  	_ =	shalt  }
0x4e: {  	_ =	shalt  }
0x4f: {  	_ =	shalt  }
0x50: {  	_ =	shalt  }
0x51: {  	_ =	shalt  }
0x52: {  	_ =	shalt  }
0x53: {  	_ =	shalt  }
0x54: {  	_ =	shalt  }
0x55: {  	_ =	shalt  }
0x56: {  	_ =	shalt  }
0x57: {  	_ =	shalt  }
0x58: {  	_ =	shalt  }
0x59: {  	_ =	shalt  }
0x5a: {  	_ =	shalt  }
0x5b: {  	_ =	shalt  }
0x5c: {  	_ =	shalt  }
0x5d: {  	_ =	shalt  }
0x5e: {  	_ =	shalt  }
0x5f: {  	_ =	shalt  }
0x60: {  	_ =	shalt  }
0x61: {  	_ =	shalt  }
0x62: {  	_ =	shalt  }
0x63: {  	_ =	shalt  }
0x64: {  	_ =	shalt  }
0x65: {  	_ =	shalt  }
0x66: {  	_ =	shalt  }
0x67: {  	_ =	shalt  }
0x68: {  	_ =	shalt  }
0x69: {  	_ =	shalt  }
0x6a: {  	_ =	shalt  }
0x6b: {  	_ =	shalt  }
0x6c: {  	_ =	shalt  }
0x6d: {  	_ =	shalt  }
0x6e: {  	_ =	shalt  }
0x6f: {  	_ =	shalt  }
0x70: {  	_ =	shalt  }
0x71: {  	_ =	shalt  }
0x72: {  	_ =	shalt  }
0x73: {  	_ =	shalt  }
0x74: {  	_ =	shalt  }
0x75: {  	_ =	shalt  }
0x76: {  	_ =	shalt  }
0x77: {  	_ =	shalt  }
0x78: {  	_ =	shalt  }
0x79: {  	_ =	shalt  }
0x7a: {  	_ =	shalt  }
0x7b: {  	_ =	shalt  }
0x7c: {  	_ =	shalt  }
0x7d: {  	_ =	shalt  }
0x7e: {  	_ =	shalt  }
0x7f: {  	_ =	shalt  }
0x80: {  	_ =	shalt  }
0x81: {  	_ =	shalt  }
0x82: {  	_ =	shalt  }
0x83: {  	_ =	shalt  }
0x84: {  	_ =	shalt  }
0x85: {  	_ =	shalt  }
0x86: {  	_ =	shalt  }
0x87: {  	_ =	shalt  }
.Lfunc_end0:
.L_simem_size_0:
called_computation.4_lowered:
.L_overlay_start_0:
0x88: {  	s2 =	sld [smem:$0x3FD9]  }
0x89: {  	s3 =	sld [smem:$0x3FFE];
	_ =	sdelay $0x1  }
0x8a: {  	s1 =	srdreg.scid  }
0x8b: {  	s0 =	sand.u32 $0x1, s1  }
0x8c: {  	s16 =	sshll.u32 s0, $0xA;
	s2 =	sadd.s32 s3, s2  }
0x8d: {  	s2 =	sadd.s32 s2, s16  }
0x8e: {  	[smem:$0x3FBD] =	sst s2  }
0x8f: {  	_ = 	snop  }
0x90: {  	(tm) =	ssettm $0x1  }
0x91: {  	s17 =	sld [smem:$0x3FFB];
	_ =	sdelay $0x3  }
0x92: {  	_ =	strace s17  }
0x93: {  	s2 =	sld [smem:$0x3FFC];
	_ =	sdelay $0x3  }
0x94: {  	_ =	strace s2  }
0x95: {  	s2 =	sld [smem:$0x3FFD];
	_ =	sdelay $0x3  }
0x96: {  	_ =	strace s2  }
0x97: {  	_ =	strace $0x8FFFFFFF  }
0x98: {  	s18 =	sld [smem:$0x3FDB];
	_ =	sdelay $0x1  }
0x99: {  	s19 =	simm.s32 $_scs_section_size  }
0x9a: {  	s4 =	simm.s32 $_size__tile_overlayer_lowered;
	s5 =	simm.s32 $_tile_overlayer_lowered  }
0x9b: {  	s22 =	simm.s32 $0x1BFF;
	s21 =	sshll.u32 s5, $0x1;
	s2 =	sadd.s32 s19, s18  }
0x9c: {  	s6 =	simm.s32 $0x0;
	s20 =	sshll.u32 s4, $0x1;
	s4 =	sadd.s32 s21, s2  }
0x9d: {  	[timem:s6], [sflag:s22] =	dma.local [hbm:s4], s20  }
0x9e: {  	_ =	swait.ge [sflag:s22], s20  }
0x9f: {  	s3 =	ssub.s32 $0x0, s20;
	[sflag:s22] =	ssyncset.done $0x0  }
0xa0: {  	[sflag:s22] =	ssyncadd.s32 s3;
	_ =	sdelay $0x1  }
0xa1: {  	s23 =	simm.s32 $0x1B8B  }
0xa2: {  	_ =	swait.ge [sflag:s23], $0x1  }
0xa3: {  	[sflag:s23] =	ssyncset.done $0x0  }
0xa4: {  	s25 =	simm.s32 $0x1B8E;
	s24 =	sld [smem:$0x3FFE];
	[sflag:s23] =	ssyncadd.s32 $0xFFFFFFFF  }
0xa5: {  	s26 =	simm.s32 $execute0_lowered;
	[smem:$0x3FD2] =	sst s25  }
0xa6: {  	s4 =	sshll.u32 s26, $0x1;
	_ =	strace $0x80000052;
	[dreg:$0x1] =	wrdreg $0xFFFFFFFF  }
0xa7: {  	s28 =	simm.s32 $_size_execute0_lowered;
	s2 =	sadd.s32 s2, s4;
	[dreg:$0x0] =	wrdreg $0x0  }
0xa8: {  	s4 =	sshll.u32 s28, $0x1;
	[dreg:$0x2] =	wrdreg s2  }
0xa9: {  	[dreg:$0x3] =	wrdreg s4  }
0xaa: {  	[dreg:$0x4] =	wrdreg $0xC0  }
0xab: {  	_ =	task [dreg:s6], $0x5FFFF  }
0xac: {  	[dreg:$0x1] =	wrdreg $0xFFFFFFFF  }
0xad: {  	[dreg:$0x0] =	wrdreg $0x60  }
0xae: {  	[dreg:$0x2] =	wrdreg s24  }
0xaf: {  	[dreg:$0x3] =	wrdreg $0x9  }
0xb0: {  	_ =	task.clear_ibuf [dreg:s6], $0x4FFFF;
	_ =	strace $0x90000052  }
0xb1: {  	s29 =	simm.s32 $0x9;
	_ =	strace $0x80000054  }
0xb2: {  	_ =	swait.ge [sflag:s29], $0x1  }
0xb3: {  	[sflag:s29] =	ssyncadd.s32 $0xFFFFFFFF  }
0xb4: {  	_ =	strace $0x90000054  }
0xb5: {  	_ =	sfence  }
0xb6: {  	s30 =	sld [smem:$0x0];
	_ =	sdelay $0x2  }
0xb7: {  	s31 =	sshll.u32 s1, $0xD;
	s1 =	sshrl.u32 s1, $0x2  }
0xb8: {  	s3 =	sand.u32 $0x4000, s31;
	s1 =	sadd.s32 s1, s30  }
0xb9: {  	s0 =	sor.u32 s3, s0;
	s1 =	sshll.u32 s1, $0x11  }
0xba: {  	s0 =	sor.u32 s1, s0  }
0xbb: {  	s0 =	sadd.s32 $0x8F2B, s0  }
0xbc: {  	[sflag:s0] =	ssyncadd.remote.s32 $0x1  }
0xbd: {  	_ =	sfence.sel $0xFFFF  }
0xbe: {  	[dreg:$0x0] =	wrdreg $0xFFFFFFFF;
	(pc) =	sbr.abs _section_cstart, $3  }
0xbf: {  	[dreg:$0x1] =	wrdreg $0xFFFFFFFF  }
0xc0: {  	_ =	task.clear_ibuf [dreg:s6], $0x2FFFF;
	_ =	strace $0x9FFFFFFF  }
0xc1: {  	(tm) =	ssettm $0x7FFFFFFF  }
tec
execute0_lowered:
.L_overlay_start_1:
0x0: {  	(tag) =	ssettag $0x1  }
0x1: {  	s0 =	srdreg.scid  }
0x2: {  	s4 =	rddreg [dreg:$0x0];
	s3 =	sand.u32 $0x1, s0  }
0x3: {  	s1 =	stileid.u32;
	s2 =	simm.s32 $0x0;
	s5 =	sshll.u32 s3, $0x4  }
0x4: {  	s9 =	simm.s32 $0x5150;
	s10 =	simm.s32 $0x0;
	s5 =	sor.u32 s1, s5  }
0x5: {  	s0 =	rddreg [dreg:$0x1];
	s3 =	ssub.s32 $0x2, s3;
	s6 =	smul.u32 $0xA00, s5  }
0x6: {  	[smem:$0x7FF] =	sst s2;
	s31 =	sshrl.u32 s3, $0x1;
	s7 =	smul.u32 $0x28, s5  }
0x7: {  	_ =	strace $0x80000053;
	s5 =	sshll.u32 s5, $0xA;
	s8 =	ssub.s32 s3, s31  }
0x8: {  	s5 =	sadd.s32 s5, s4;
	s6 =	sadd.s32 s6, s4;
	s7 =	sadd.s32 s7, s4  }
0x9: {  	s5 =	sadd.s32 $0x16A00, s5;
	s3 =	sadd.s32 $0x66400, s7;
	s4 =	sadd.s32 $0x2A00, s6  }
0xa: {  	v0 =	vimm.f32 $-Inf;
	s6 =	smax.u32 s8, $0x1;
	s7 =	simm.s32 $0x1;
	s8 =	simm.s32 $0x150  }
.LBB2_1:
0xb: {  	[tilespmem:s2], [sflag:$0x1] =	stream.linear.gather [hbm4b:s3+s2], $0x140, $0x38;
	[tilespmem:$0x7150] =	vst v63  }
0xc: {  	_ =	swait.ge [sflag:s7], $0x140  }
0xd: {  	[sflag:s7] =	ssyncset.done $0x0  }
0xe: {  	[sflag:s7] =	ssyncadd.s32 $0xFFFFFEC0  }
0xf: {  	[tilespmem:s8], [sflag:$0x1] =	stream.linear.gather [hbm4b:s4+s2], $0x5000, $0x38;
	[tilespmem:$0x7150] =	vst v63  }
0x10: {  	_ =	swait.ge [sflag:s7], $0x5000  }
0x11: {  	[sflag:s7] =	ssyncset.done $0x0  }
0x12: {  	s11 =	simm.s32 $0x0;
	[sflag:s7] =	ssyncadd.s32 $0xFFFFB000  }
.LBB2_2:
0x13: {  	p0 =	sne.s32 s11, $0x7F00  }
.Ltmp0:
0x14: {  	s12 =	sshra.s32 s11, $0x2;
	(pc) =	sbr.rel @p0 .LBB2_2-.Ltmp0, $4  }
0x15: {  	[tilespmem:s12+$0x5150] =	vst v0  }
0x16: {  	[tilespmem:s12+$0x5160] =	vst v0  }
0x17: {  	[tilespmem:s12+$0x5170] =	vst v0  }
0x18: {  	s11 =	sadd.s32 $0x100, s11;
	[tilespmem:s12+$0x5180] =	vst v0  }
0x19: {  	s11 =	simm.s32 $0x0  }
0x1a: {  	v1 =	vld [tilespmem:s11+$0x0];
	_ =	sdelay $0x4  }
0x1b: {  	(v2sf) =	vpush v1, $0x0;
	_ =	sdelay $0xe  }
0x1c: {  	s12 =	spop (v2sf)  }
0x1d: {  	s11 =	simm.s32 $0x170;
	s12 =	sshll.u32 s12, $0x8  }
0x1e: {  	v1 =	vld [tilespmem:s11+$0xFFFFFFE0];
	s14 =	sshra.s32 s12, $0x2  }
0x1f: {  	v2 =	vld [tilespmem:s14+$0x5150];
	_ =	sdelay $0x4  }
0x20: {  	v1 =	vmax.f32 v2, v1  }
0x21: {  	[tilespmem:s14+$0x5150] =	vst v1;
	v1 =	vld [tilespmem:s14+$0x5160]  }
0x22: {  	v2 =	vld [tilespmem:s11+$0xFFFFFFF0];
	_ =	sdelay $0x4  }
0x23: {  	v1 =	vmax.f32 v1, v2  }
0x24: {  	[tilespmem:s14+$0x5160] =	vst v1;
	v1 =	vld [tilespmem:s14+$0x5170]  }
0x25: {  	v2 =	vld [tilespmem:s11+$0x0];
	_ =	sdelay $0x4  }
0x26: {  	v1 =	vmax.f32 v1, v2  }
0x27: {  	[tilespmem:s14+$0x5170] =	vst v1;
	v1 =	vld [tilespmem:s14+$0x5180]  }
0x28: {  	v2 =	vld [tilespmem:s11+$0x10];
	_ =	sdelay $0x4  }
0x29: {  	s15 =	simm.s32 $0x8;
	s12 =	simm.s32 $0x4;
	v1 =	vmax.f32 v1, v2  }
.LBB2_4:
0x2a: {  	s16 =	sshra.s32 s12, $0x2  }
0x2b: {  	[tilespmem:s14+$0x5180] =	vst v1;
	s11 =	sadd.s32 $0x40, s11;
	s12 =	smov.u32 s15;
	s13 =	sadd.s32 $0x4, s15  }
0x2c: {  	p0 =	sne.s32 s15, $0x4FC;
	v1 =	vld [tilespmem:s16+$0x0];
	_ =	sdelay $0x4  }
0x2d: {  	(v2sf) =	vpush v1, $0x0;
	_ =	sdelay $0xe  }
0x2e: {  	s14 =	spop (v2sf)  }
0x2f: {  	s14 =	sshll.u32 s14, $0x8  }
0x30: {  	s14 =	sshra.s32 s14, $0x2;
	v1 =	vld [tilespmem:s11+$0xFFFFFFE0]  }
0x31: {  	v2 =	vld [tilespmem:s14+$0x5150];
	_ =	sdelay $0x4  }
0x32: {  	v1 =	vmax.f32 v2, v1  }
0x33: {  	[tilespmem:s14+$0x5150] =	vst v1;
	v1 =	vld [tilespmem:s14+$0x5160]  }
0x34: {  	v2 =	vld [tilespmem:s11+$0xFFFFFFF0];
	_ =	sdelay $0x4  }
0x35: {  	v1 =	vmax.f32 v1, v2  }
0x36: {  	[tilespmem:s14+$0x5160] =	vst v1;
	v1 =	vld [tilespmem:s14+$0x5170]  }
0x37: {  	v2 =	vld [tilespmem:s11+$0x0];
	_ =	sdelay $0x4  }
0x38: {  	v1 =	vmax.f32 v1, v2  }
0x39: {  	[tilespmem:s14+$0x5170] =	vst v1;
	v1 =	vld [tilespmem:s14+$0x5180]  }
0x3a: {  	v2 =	vld [tilespmem:s11+$0x10]  }
.Ltmp1:
0x3b: {  	(pc) =	sbr.rel @p0 .LBB2_4-.Ltmp1, $2  }
0x3c: {  	_ =	sdelay $0x2  }
0x3d: {  	s15 =	smov.u32 s13;
	v1 =	vmax.f32 v1, v2  }
0x3e: {  	s12 =	sshra.s32 s12, $0x2;
	[tilespmem:s14+$0x5180] =	vst v1  }
0x3f: {  	v1 =	vld [tilespmem:s12+$0x0];
	_ =	sdelay $0x4  }
0x40: {  	(v2sf) =	vpush v1, $0x0;
	_ =	sdelay $0xe  }
0x41: {  	s31 =	spop (v2sf)  }
0x42: {  	s11 =	sadd.s32 $0x40, s11;
	s12 =	sshll.u32 s31, $0x8  }
0x43: {  	v1 =	vld [tilespmem:s11+$0xFFFFFFE0];
	s12 =	sshra.s32 s12, $0x2  }
0x44: {  	v2 =	vld [tilespmem:s12+$0x5150];
	_ =	sdelay $0x4  }
0x45: {  	v1 =	vmax.f32 v2, v1  }
0x46: {  	[tilespmem:s12+$0x5150] =	vst v1;
	v1 =	vld [tilespmem:s12+$0x5160]  }
0x47: {  	v2 =	vld [tilespmem:s11+$0xFFFFFFF0];
	_ =	sdelay $0x4  }
0x48: {  	v1 =	vmax.f32 v1, v2  }
0x49: {  	[tilespmem:s12+$0x5160] =	vst v1;
	v1 =	vld [tilespmem:s12+$0x5170]  }
0x4a: {  	v2 =	vld [tilespmem:s11+$0x0];
	_ =	sdelay $0x4  }
0x4b: {  	v1 =	vmax.f32 v1, v2  }
0x4c: {  	[tilespmem:s12+$0x5170] =	vst v1;
	v1 =	vld [tilespmem:s12+$0x5180]  }
0x4d: {  	v2 =	vld [tilespmem:s11+$0x10];
	_ =	sdelay $0x3  }
0x4e: {  	s10 =	sadd.s32 $0x1, s10  }
0x4f: {  	p0 =	sne.s32 s10, s6;
	v1 =	vmax.f32 v1, v2  }
.Ltmp2:
0x50: {  	[tilespmem:s12+$0x5180] =	vst v1;
	(pc) =	sbr.rel @p0 .LBB2_1-.Ltmp2, $4  }
0x51: {  	[hbm4b:s5+s2] =	stream.linear.scatter [tilespmem:s9], [sflag:$0x1], $0x2000, $0x38;
	[tilespmem:$0x7150] =	vst v63  }
0x52: {  	_ =	swait.ge [sflag:s7], $0x2000  }
0x53: {  	[sflag:s7] =	ssyncset.done $0x0  }
0x54: {  	[sflag:s7] =	ssyncadd.s32 $0xFFFFE000  }
0x55: {  	_ =	sfence.sel $0x180000  }
0x56: {  	[bflag:$0x0] =	sbarrier.arrive $0xFFFF  }
0x57: {  	p0 =	sne.s32 s1, $0x0;
	_ =	strace $0x90000053  }
0x58: {  	s0 =	sadd.s32 @!p0 $0x100000, s0;
	[bflag:$0x2] =	sbarrier.arrive $0xFFFF  }
0x59: {  	[sflag:s0] =	ssyncadd.tile.s32 @!p0 $0x1;
	_ =	shalt  }
.Lfunc_end2:
_tile_overlayer_lowered:
.L_overlay_start_2:
0x5a: {  	(tag) =	ssettag $0x2  }
0x5b: {  	s0 =	rddreg [dreg:$0x0];
	s2 =	stileid.u32  }
0x5c: {  	s1 =	rddreg [dreg:$0x1];
	p0 =	sne.s32 s2, $0x0  }
0x5d: {  	s3 =	rddreg [dreg:$0x2];
	[bflag:$0x3] =	sbarrier.arrive $0xFFFF;
	s2 =	simm.s32 @!p0 $0x1C01  }
0x5e: {  	[timem:s3], [sflag:s2] =	dma.local @!p0 [hbm:s0], s1  }
0x5f: {  	s0 =	simm.s32 @!p0 $0x1  }
0x60: {  	_ =	swait.ge @!p0 [sflag:s0], s1  }
0x61: {  	s1 =	ssub.s32 @!p0 $0x0, s1;
	[sflag:s0] =	ssyncset.done @!p0 $0x0  }
0x62: {  	[sflag:s0] =	ssyncadd.s32 @!p0 s1  }
0x63: {  	[bflag:$0x3] =	sbarrier.arrive $0xFFFF  }
0x64: {  	_ =	shalt  }

</sc_bundles>
